<compile_context>
chip_gen: v7x
topology: tpu7x:2x2x1
jax: 0.10.2.dev20260603
libtpu: 0.0.44.dev20260713+nightly
codegen_flags: <defaults>
</compile_context>

<pallas_src>
import functools

import jax
import jax.numpy as jnp
from jax import lax
from jax.experimental import pallas as pl
from jax.experimental.pallas import tpu as pltpu
from jax.experimental.pallas import tpu_sc as plsc

N_NODES = 10000
N_EDGES = 320000
DIM = 128
NP = 10240
CHUNK = 128
NC, NS = 2, 16
NW = NC * NS
N_CHUNKS = N_EDGES // CHUNK
UNROLL = 6
NROWS = 2
NIDX = 6
NITER = 13


def _sc_aggregate(seq, edge_flat):
    mesh = plsc.VectorSubcoreMesh(core_axis_name="c", subcore_axis_name="s")

    scratch = [
        pltpu.VMEM_SHARED((NP, DIM), jnp.float32),
        pltpu.VMEM_SHARED((NP,), jnp.float32),
        pltpu.VMEM((CHUNK,), jnp.float32),
        pltpu.VMEM((640,), jnp.float32),
        pltpu.VMEM((64, DIM), jnp.float32),
        pltpu.VMEM((8, DIM), jnp.float32),
    ]
    scratch += [pltpu.VMEM((CHUNK,), jnp.int32) for _ in range(NIDX)]
    scratch += [pltpu.VMEM((CHUNK,), jnp.int32) for _ in range(NIDX)]
    scratch += [pltpu.VMEM((CHUNK, DIM), jnp.float32) for _ in range(NROWS)]
    scratch += [pltpu.SemaphoreType.DMA for _ in range(2 * NIDX + NROWS)]
    scratch += [pltpu.SemaphoreType.DMA]

    @functools.partial(
        pl.kernel,
        out_type=(
            jax.ShapeDtypeStruct((NC, NP, DIM), jnp.float32),
            jax.ShapeDtypeStruct((NC, 80, DIM), jnp.float32),
        ),
        mesh=mesh,
        scratch_types=scratch,
    )
    def sc_agg(seq_hbm, edge_hbm, part_hbm, degp_hbm,
               acc_sh, deg_sh, ones_v, zero1_v, zero_v, dbounce_v, *bufs):
        src_vs = bufs[0:NIDX]
        dst_vs = bufs[NIDX:2 * NIDX]
        rows_vs = bufs[2 * NIDX:2 * NIDX + NROWS]
        isems = bufs[2 * NIDX + NROWS:3 * NIDX + NROWS]
        gsems = bufs[3 * NIDX + NROWS:3 * NIDX + 2 * NROWS]
        dsems = bufs[3 * NIDX + 2 * NROWS:4 * NIDX + 2 * NROWS]
        zsem = bufs[4 * NIDX + 2 * NROWS]

        cid = lax.axis_index("c")
        sid = lax.axis_index("s")
        wid = cid * NS + sid
        zvec = jnp.zeros((16,), jnp.float32)

        def zb(i, _):
            zero_v[i // 8, pl.ds((i % 8) * 16, 16)] = zvec
            return 0
        lax.fori_loop(0, 64 * 8, zb, 0)

        def z1(i, _):
            zero1_v[pl.ds(i * 16, 16)] = zvec
            return 0
        lax.fori_loop(0, 40, z1, 0)

        for j in range(CHUNK // 16):
            ones_v[pl.ds(j * 16, 16)] = jnp.ones((16,), jnp.float32)

        zdescs = [
            pltpu.async_copy(zero_v, acc_sh.at[pl.ds(sid * 640 + t * 64, 64)],
                             zsem)
            for t in range(10)
        ]
        zdescs.append(
            pltpu.async_copy(zero1_v, deg_sh.at[pl.ds(sid * 640, 640)], zsem))

        N_MAIN = NITER * UNROLL

        def issue_idx(v, s):
            base = pl.multiple_of((wid + v * NW) * CHUNK, CHUNK)
            pltpu.async_copy(edge_hbm.at[pl.ds(N_EDGES + base, CHUNK)],
                             src_vs[s], isems[s])
            pltpu.async_copy(edge_hbm.at[pl.ds(base, CHUNK)],
                             dst_vs[s], isems[s])

        def wait_idx(s):
            pltpu.make_async_copy(edge_hbm.at[pl.ds(0, CHUNK)], src_vs[s],
                                  isems[s]).wait()
            pltpu.make_async_copy(edge_hbm.at[pl.ds(0, CHUNK)], dst_vs[s],
                                  isems[s]).wait()

        def issue_gather(s, b):
            pltpu.async_copy(seq_hbm.at[src_vs[s]], rows_vs[b], gsems[b])

        def wait_gather(s, b):
            pltpu.make_async_copy(seq_hbm.at[src_vs[s]], rows_vs[b],
                                  gsems[b]).wait()

        def wait_deg(s):
            pltpu.make_async_copy(ones_v, deg_sh.at[dst_vs[s]],
                                  dsems[s]).wait()

        for v in range(4):
            issue_idx(v, v % NIDX)
        wait_idx(0)
        issue_gather(0, 0)
        wait_idx(1)
        issue_gather(1, 1)

        for zd in zdescs:
            zd.wait()
        plsc.subcore_barrier()

        def body(t, _):
            c0 = t * UNROLL
            for u in range(UNROLL):
                b = u % NROWS
                wait_gather(u, b)
                pltpu.sync_copy(rows_vs[b], acc_sh.at[dst_vs[u]], add=True)
                pltpu.async_copy(ones_v, deg_sh.at[dst_vs[u]], dsems[u],
                                 add=True)

                @pl.when(c0 + u >= 2)
                def _(u=u):
                    wait_deg((u - 2) % NIDX)

                @pl.when(c0 + u + 4 < N_MAIN)
                def _(u=u, c0=c0):
                    issue_idx(c0 + u + 4, (u + 4) % NIDX)

                @pl.when(c0 + u + 2 < N_MAIN)
                def _(u=u, b=b):
                    s = (u + 2) % NIDX
                    wait_idx(s)
                    issue_gather(s, b)
            return 0
        lax.fori_loop(0, NITER, body, 0)

        wait_deg((N_MAIN - 2) % NIDX)
        wait_deg((N_MAIN - 1) % NIDX)

        @pl.when(sid < (N_CHUNKS - NITER * UNROLL * NW) // NC)
        def _():
            echunk = NITER * UNROLL * NW + sid * NC + cid
            base = pl.multiple_of(echunk * CHUNK, CHUNK)
            pltpu.sync_copy(edge_hbm.at[pl.ds(N_EDGES + base, CHUNK)],
                            src_vs[0])
            pltpu.sync_copy(edge_hbm.at[pl.ds(base, CHUNK)], dst_vs[0])
            pltpu.async_copy(seq_hbm.at[src_vs[0]], rows_vs[0],
                             gsems[0]).wait()
            pltpu.sync_copy(rows_vs[0], acc_sh.at[dst_vs[0]], add=True)
            pltpu.sync_copy(ones_v, deg_sh.at[dst_vs[0]], add=True)

        plsc.subcore_barrier()

        cdesc = pltpu.async_copy(acc_sh.at[pl.ds(sid * 640, 640)],
                                 part_hbm.at[cid, pl.ds(sid * 640, 640)],
                                 zsem)

        @pl.when(sid < 10)
        def _():
            bdescs = [
                pltpu.async_copy(
                    deg_sh.at[pl.ds((sid * 8 + q) * DIM, DIM)],
                    dbounce_v.at[q], zsem)
                for q in range(8)
            ]
            for bd in bdescs:
                bd.wait()
            pltpu.sync_copy(dbounce_v, degp_hbm.at[cid, pl.ds(sid * 8, 8)])

        cdesc.wait()

    return sc_agg(seq, edge_flat)


def _tc_deg_reduce(degp):
    def body(d_r, o_r):
        o_r[...] = 1.0 / (d_r[0] + d_r[1] + 1e-8)

    return pl.pallas_call(
        body,
        out_shape=jax.ShapeDtypeStruct((80, DIM), jnp.float32),
    )(degp)


def _tc_finish(part, dinv, W, a1):
    BR = 2000
    grid = (N_NODES // BR,)

    def body(p0_r, p1_r, d_r, w_r, a_r, o_r):
        x = p0_r[0] + p1_r[0]
        y = lax.dot_general(x, w_r[...], (((1,), (1,)), ((), ())),
                            preferred_element_type=jnp.float32)
        y = y * d_r[...]
        a = a_r[0]
        o_r[...] = jnp.where(y >= 0.0, y, a * y)

    return pl.pallas_call(
        body,
        grid=grid,
        in_specs=[
            pl.BlockSpec((1, BR, DIM), lambda i: (0, i, 0)),
            pl.BlockSpec((1, BR, DIM), lambda i: (1, i, 0)),
            pl.BlockSpec((BR, 1), lambda i: (i, 0)),
            pl.BlockSpec((DIM, DIM), lambda i: (0, 0)),
            pl.BlockSpec(memory_space=pltpu.SMEM),
        ],
        out_specs=pl.BlockSpec((BR, DIM), lambda i: (i, 0)),
        out_shape=jax.ShapeDtypeStruct((N_NODES, DIM), jnp.float32),
    )(part, part, dinv, W, a1)


def kernel(seq, edge_index, W, prelu_a):
    edge_flat = edge_index.astype(jnp.int32).reshape(2 * N_EDGES)
    part, degp = _sc_aggregate(seq, edge_flat)
    dinv = _tc_deg_reduce(degp).reshape(NP)[:N_NODES].reshape(N_NODES, 1)
    a1 = prelu_a.reshape(1)
    return _tc_finish(part, dinv, W, a1)

# --- scband reference (transcript-rebuilt; emitter-appended) ---
"""Pipeline reference for scband-mean-aggregator-36155034698032 (READ-ONLY COPY).

The authoritative reference and input builder live on the scoring server;
editing this copy changes nothing except your own understanding.
"""

import jax, jax.numpy as jnp
import numpy as np

N_NODES = 10000
N_EDGES = 320000
IN_DIM = 128
OUT_DIM = 128


def setup_inputs(seed: int = 0) -> dict:
    key = jax.random.key(seed)
    k1, k2, k3 = jax.random.split(key, 3)
    seq = jax.random.normal(k1, (N_NODES, IN_DIM), dtype=jnp.float32)
    # adj is a sparse COO [N, N] matrix with value 1.0 at (dst, src) pairs;
    # we represent it by edge_index = [dst_row; src_col].
    edge_index = jax.random.randint(k2, (2, N_EDGES), 0, N_NODES, dtype=jnp.int64)
    # Linear(in_dim, out_dim, bias=False) with xavier_normal_(gain=1.414)
    std = 1.414 * float(np.sqrt(2.0 / (IN_DIM + OUT_DIM)))
    W = jax.random.normal(k3, (OUT_DIM, IN_DIM), dtype=jnp.float32) * std
    # PReLU default: single learnable slope initialized to 0.25
    prelu_a = jnp.asarray(0.25, dtype=jnp.float32)
    return {"seq": seq, "edge_index": edge_index, "W": W, "prelu_a": prelu_a}


def reference(seq, edge_index, W, prelu_a):
    # seq_fts = self.fc(seq)
    seq_fts = seq @ W.T
    dst = edge_index[0]
    src = edge_index[1]
    # out = torch.spmm(adj, seq_fts): out[i] = sum_{j in N(i)} seq_fts[j]
    gathered = jnp.take(seq_fts, src, axis=0)
    out = jax.ops.segment_sum(gathered, dst, num_segments=N_NODES)
    # degrees = torch.spmm(adj, ones(N, 1))
    ones_e = jnp.ones((dst.shape[0], 1), dtype=seq.dtype)
    degrees = jax.ops.segment_sum(ones_e, dst, num_segments=N_NODES)
    out = out / (degrees + 1e-08)
    # PReLU(out) with scalar slope
    return jnp.where(out >= 0, out, prelu_a * out)

if __name__ == "__main__":
    import jax
    _d = setup_inputs()
    print(jax.jit(kernel)(*tuple(_d.values())))

</pallas_src>

<mosaic_0001>
#map = affine_map<(d0, d1) -> (0, 0)>
#map1 = affine_map<(d0, d1) -> (0)>
#map2 = affine_map<(d0, d1) -> (0, 0, 0)>
module attributes {stable_mosaic.version = 14 : i64} {
  func.func @sc_agg(%arg0: i32, %arg1: i32, %arg2: memref<10000x128xf32, #tpu.memory_space<hbm>>, %arg3: memref<640000xi32, #tpu.memory_space<hbm>>, %arg4: memref<2x10240x128xf32, #tpu.memory_space<hbm>>, %arg5: memref<2x80x128xf32, #tpu.memory_space<hbm>>, %arg6: memref<10240x128xf32, #tpu.memory_space<vmem_shared>>, %arg7: memref<10240xf32, #tpu.memory_space<vmem_shared>>, %arg8: memref<128xf32, #tpu.memory_space<vmem>>, %arg9: memref<640xf32, #tpu.memory_space<vmem>>, %arg10: memref<64x128xf32, #tpu.memory_space<vmem>>, %arg11: memref<8x128xf32, #tpu.memory_space<vmem>>, %arg12: memref<128xi32, #tpu.memory_space<vmem>>, %arg13: memref<128xi32, #tpu.memory_space<vmem>>, %arg14: memref<128xi32, #tpu.memory_space<vmem>>, %arg15: memref<128xi32, #tpu.memory_space<vmem>>, %arg16: memref<128xi32, #tpu.memory_space<vmem>>, %arg17: memref<128xi32, #tpu.memory_space<vmem>>, %arg18: memref<128xi32, #tpu.memory_space<vmem>>, %arg19: memref<128xi32, #tpu.memory_space<vmem>>, %arg20: memref<128xi32, #tpu.memory_space<vmem>>, %arg21: memref<128xi32, #tpu.memory_space<vmem>>, %arg22: memref<128xi32, #tpu.memory_space<vmem>>, %arg23: memref<128xi32, #tpu.memory_space<vmem>>, %arg24: memref<128x128xf32, #tpu.memory_space<vmem>>, %arg25: memref<128x128xf32, #tpu.memory_space<vmem>>, %arg26: memref<!tpu.dma_semaphore, #tpu.memory_space<semaphore_mem>>, %arg27: memref<!tpu.dma_semaphore, #tpu.memory_space<semaphore_mem>>, %arg28: memref<!tpu.dma_semaphore, #tpu.memory_space<semaphore_mem>>, %arg29: memref<!tpu.dma_semaphore, #tpu.memory_space<semaphore_mem>>, %arg30: memref<!tpu.dma_semaphore, #tpu.memory_space<semaphore_mem>>, %arg31: memref<!tpu.dma_semaphore, #tpu.memory_space<semaphore_mem>>, %arg32: memref<!tpu.dma_semaphore, #tpu.memory_space<semaphore_mem>>, %arg33: memref<!tpu.dma_semaphore, #tpu.memory_space<semaphore_mem>>, %arg34: memref<!tpu.dma_semaphore, #tpu.memory_space<semaphore_mem>>, %arg35: memref<!tpu.dma_semaphore, #tpu.memory_space<semaphore_mem>>, %arg36: memref<!tpu.dma_semaphore, #tpu.memory_space<semaphore_mem>>, %arg37: memref<!tpu.dma_semaphore, #tpu.memory_space<semaphore_mem>>, %arg38: memref<!tpu.dma_semaphore, #tpu.memory_space<semaphore_mem>>, %arg39: memref<!tpu.dma_semaphore, #tpu.memory_space<semaphore_mem>>, %arg40: memref<!tpu.dma_semaphore, #tpu.memory_space<semaphore_mem>>) attributes {dimension_semantics = [#tpu.dimension_semantics<core_parallel>, #tpu.dimension_semantics<subcore_parallel>], iteration_bounds = array<i64: 2, 16>, scalar_prefetch = 0 : i64, scratch_operands = 35 : i64, tpu.core_type = #tpu.core_type<sc_vector_subcore>, window_params = [{transform_indices = #map}, {transform_indices = #map1}, {transform_indices = #map2}, {transform_indices = #map2}]} {
    %mul3A = arith.constant 16 : i32
    %mul3A_0 = arith.muli %arg0, %mul3A : i32
    %add3A = arith.addi %mul3A_0, %arg1 : i32
    %broadcast_in_dim3A = arith.constant 0.000000e+00 : f32
    %broadcast_in_dim3A_1 = vector.broadcast %broadcast_in_dim3A : f32 to vector<16xf32>
    %scan3A = arith.constant 0 : i32
    %scan3A_2 = arith.constant 0 : i32
    %scan3A_3 = arith.constant 512 : i32
    %scan3A_4 = arith.addi %scan3A_2, %scan3A_3 : i32
    %scan3A_5 = arith.constant 1 : i32
    %scan3A_6 = scf.for %scan3A_284 = %scan3A_2 to %scan3A_4 step %scan3A_5 iter_args(%scan3A_285 = %scan3A) -> (i32)  : i32 {
      %jit3A = arith.constant 8 : i32
      %div3A = arith.divsi %scan3A_284, %jit3A : i32
      %sign3A = arith.constant 0 : i32
      %sign3A_286 = arith.cmpi sgt, %scan3A_284, %sign3A : i32
      %sign3A_287 = arith.extui %sign3A_286 : i1 to i32
      %sign3A_288 = arith.constant 0 : i32
      %sign3A_289 = arith.cmpi slt, %scan3A_284, %sign3A_288 : i32
      %sign3A_290 = arith.extui %sign3A_289 : i1 to i32
      %sign3A_291 = arith.subi %sign3A_287, %sign3A_290 : i32
      %sign3A_292 = arith.constant 0 : i32
      %sign3A_293 = arith.cmpi sgt, %jit3A, %sign3A_292 : i32
      %sign3A_294 = arith.extui %sign3A_293 : i1 to i32
      %sign3A_295 = arith.constant 0 : i32
      %sign3A_296 = arith.cmpi slt, %jit3A, %sign3A_295 : i32
      %sign3A_297 = arith.extui %sign3A_296 : i1 to i32
      %sign3A_298 = arith.subi %sign3A_294, %sign3A_297 : i32
      %ne3A = arith.cmpi ne, %sign3A_291, %sign3A_298 : i32
      %rem3A = arith.remsi %scan3A_284, %jit3A : i32
      %ne3A_299 = arith.constant 0 : i32
      %ne3A_300 = arith.cmpi ne, %rem3A, %ne3A_299 : i32
      %and3A = arith.andi %ne3A, %ne3A_300 : i1
      %sub3A = arith.constant 1 : i32
      %sub3A_301 = arith.subi %div3A, %sub3A : i32
      %select_n3A = arith.select %and3A, %sub3A_301, %div3A : i32
      %jit3A_302 = arith.constant 8 : i32
      %eq3A = arith.constant 0 : i32
      %eq3A_303 = arith.cmpi eq, %jit3A_302, %eq3A : i32
      %jit3A_304 = arith.constant 1 : i32
      %select_n3A_305 = arith.select %eq3A_303, %jit3A_304, %jit3A_302 : i32
      %rem3A_306 = arith.remsi %scan3A_284, %select_n3A_305 : i32
      %ne3A_307 = arith.constant 0 : i32
      %ne3A_308 = arith.cmpi ne, %rem3A_306, %ne3A_307 : i32
      %lt3A_309 = arith.constant 0 : i32
      %lt3A_310 = arith.cmpi slt, %rem3A_306, %lt3A_309 : i32
      %lt3A_311 = arith.constant 0 : i32
      %lt3A_312 = arith.cmpi slt, %select_n3A_305, %lt3A_311 : i32
      %ne3A_313 = arith.xori %lt3A_310, %lt3A_312 : i1
      %and3A_314 = arith.andi %ne3A_313, %ne3A_308 : i1
      %add3A_315 = arith.addi %rem3A_306, %select_n3A_305 : i32
      %select_n3A_316 = arith.select %and3A_314, %add3A_315, %rem3A_306 : i32
      %mul3A_317 = arith.constant 16 : i32
      %mul3A_318 = arith.muli %select_n3A_316, %mul3A_317 : i32
      %swap3A_319 = arith.index_cast %select_n3A : i32 to index
      %swap3A_320 = arith.index_cast %mul3A_318 : i32 to index
      %swap3A_321 = tpu.vector_load %arg10[%swap3A_319, %swap3A_320] {strides = array<i32>} : memref<64x128xf32, #tpu.memory_space<vmem>>, vector<1x16xf32>,
      %swap3A_322 = vector.shape_cast %swap3A_321 : vector<1x16xf32> to vector<16xf32>
      %swap3A_323 = vector.shape_cast %broadcast_in_dim3A_1 : vector<16xf32> to vector<1x16xf32>
      tpu.vector_store %arg10[%swap3A_319, %swap3A_320], %swap3A_323 {strides = array<i32>} : memref<64x128xf32, #tpu.memory_space<vmem>>, vector<1x16xf32>,
      %scan3A_324 = arith.constant 0 : i32
      scf.yield %scan3A_324 : i32
    }
    %scan3A_7 = arith.constant 512 : i32
    %scan3A_8 = arith.constant 0 : i32
    %scan3A_9 = arith.constant 0 : i32
    %scan3A_10 = arith.constant 40 : i32
    %scan3A_11 = arith.addi %scan3A_9, %scan3A_10 : i32
    %scan3A_12 = arith.constant 1 : i32
    %scan3A_13 = scf.for %scan3A_284 = %scan3A_9 to %scan3A_11 step %scan3A_12 iter_args(%scan3A_285 = %scan3A_8) -> (i32)  : i32 {
      %mul3A_286 = arith.constant 16 : i32
      %mul3A_287 = arith.muli %scan3A_284, %mul3A_286 : i32
      %swap3A_288 = arith.index_cast %mul3A_287 : i32 to index
      %swap3A_289 = tpu.vector_load %arg9[%swap3A_288] {strides = array<i32>} : memref<640xf32, #tpu.memory_space<vmem>>, vector<16xf32>,
      %swap3A_290 = vector.shape_cast %swap3A_289 : vector<16xf32> to vector<16xf32>
      %swap3A_291 = vector.shape_cast %broadcast_in_dim3A_1 : vector<16xf32> to vector<16xf32>
      tpu.vector_store %arg9[%swap3A_288], %swap3A_291 {strides = array<i32>} : memref<640xf32, #tpu.memory_space<vmem>>, vector<16xf32>,
      %scan3A_292 = arith.constant 0 : i32
      scf.yield %scan3A_292 : i32
    }
    %scan3A_14 = arith.constant 40 : i32
    %broadcast_in_dim3A_15 = arith.constant 1.000000e+00 : f32
    %broadcast_in_dim3A_16 = vector.broadcast %broadcast_in_dim3A_15 : f32 to vector<16xf32>
    %swap3A = arith.constant 0 : index
    %swap3A_17 = tpu.vector_load %arg8[%swap3A] {strides = array<i32>} : memref<128xf32, #tpu.memory_space<vmem>>, vector<16xf32>,
    %swap3A_18 = vector.shape_cast %swap3A_17 : vector<16xf32> to vector<16xf32>
    %swap3A_19 = vector.shape_cast %broadcast_in_dim3A_16 : vector<16xf32> to vector<16xf32>
    tpu.vector_store %arg8[%swap3A], %swap3A_19 {strides = array<i32>} : memref<128xf32, #tpu.memory_space<vmem>>, vector<16xf32>,
    %broadcast_in_dim3A_20 = arith.constant 1.000000e+00 : f32
    %broadcast_in_dim3A_21 = vector.broadcast %broadcast_in_dim3A_20 : f32 to vector<16xf32>
    %swap3A_22 = arith.constant 16 : index
    %swap3A_23 = tpu.vector_load %arg8[%swap3A_22] {strides = array<i32>} : memref<128xf32, #tpu.memory_space<vmem>>, vector<16xf32>,
    %swap3A_24 = vector.shape_cast %swap3A_23 : vector<16xf32> to vector<16xf32>
    %swap3A_25 = vector.shape_cast %broadcast_in_dim3A_21 : vector<16xf32> to vector<16xf32>
    tpu.vector_store %arg8[%swap3A_22], %swap3A_25 {strides = array<i32>} : memref<128xf32, #tpu.memory_space<vmem>>, vector<16xf32>,
    %broadcast_in_dim3A_26 = arith.constant 1.000000e+00 : f32
    %broadcast_in_dim3A_27 = vector.broadcast %broadcast_in_dim3A_26 : f32 to vector<16xf32>
    %swap3A_28 = arith.constant 32 : index
    %swap3A_29 = tpu.vector_load %arg8[%swap3A_28] {strides = array<i32>} : memref<128xf32, #tpu.memory_space<vmem>>, vector<16xf32>,
    %swap3A_30 = vector.shape_cast %swap3A_29 : vector<16xf32> to vector<16xf32>
    %swap3A_31 = vector.shape_cast %broadcast_in_dim3A_27 : vector<16xf32> to vector<16xf32>
    tpu.vector_store %arg8[%swap3A_28], %swap3A_31 {strides = array<i32>} : memref<128xf32, #tpu.memory_space<vmem>>, vector<16xf32>,
    %broadcast_in_dim3A_32 = arith.constant 1.000000e+00 : f32
    %broadcast_in_dim3A_33 = vector.broadcast %broadcast_in_dim3A_32 : f32 to vector<16xf32>
    %swap3A_34 = arith.constant 48 : index
    %swap3A_35 = tpu.vector_load %arg8[%swap3A_34] {strides = array<i32>} : memref<128xf32, #tpu.memory_space<vmem>>, vector<16xf32>,
    %swap3A_36 = vector.shape_cast %swap3A_35 : vector<16xf32> to vector<16xf32>
    %swap3A_37 = vector.shape_cast %broadcast_in_dim3A_33 : vector<16xf32> to vector<16xf32>
    tpu.vector_store %arg8[%swap3A_34], %swap3A_37 {strides = array<i32>} : memref<128xf32, #tpu.memory_space<vmem>>, vector<16xf32>,
    %broadcast_in_dim3A_38 = arith.constant 1.000000e+00 : f32
    %broadcast_in_dim3A_39 = vector.broadcast %broadcast_in_dim3A_38 : f32 to vector<16xf32>
    %swap3A_40 = arith.constant 64 : index
    %swap3A_41 = tpu.vector_load %arg8[%swap3A_40] {strides = array<i32>} : memref<128xf32, #tpu.memory_space<vmem>>, vector<16xf32>,
    %swap3A_42 = vector.shape_cast %swap3A_41 : vector<16xf32> to vector<16xf32>
    %swap3A_43 = vector.shape_cast %broadcast_in_dim3A_39 : vector<16xf32> to vector<16xf32>
    tpu.vector_store %arg8[%swap3A_40], %swap3A_43 {strides = array<i32>} : memref<128xf32, #tpu.memory_space<vmem>>, vector<16xf32>,
    %broadcast_in_dim3A_44 = arith.constant 1.000000e+00 : f32
    %broadcast_in_dim3A_45 = vector.broadcast %broadcast_in_dim3A_44 : f32 to vector<16xf32>
    %swap3A_46 = arith.constant 80 : index
    %swap3A_47 = tpu.vector_load %arg8[%swap3A_46] {strides = array<i32>} : memref<128xf32, #tpu.memory_space<vmem>>, vector<16xf32>,
    %swap3A_48 = vector.shape_cast %swap3A_47 : vector<16xf32> to vector<16xf32>
    %swap3A_49 = vector.shape_cast %broadcast_in_dim3A_45 : vector<16xf32> to vector<16xf32>
    tpu.vector_store %arg8[%swap3A_46], %swap3A_49 {strides = array<i32>} : memref<128xf32, #tpu.memory_space<vmem>>, vector<16xf32>,
    %broadcast_in_dim3A_50 = arith.constant 1.000000e+00 : f32
    %broadcast_in_dim3A_51 = vector.broadcast %broadcast_in_dim3A_50 : f32 to vector<16xf32>
    %swap3A_52 = arith.constant 96 : index
    %swap3A_53 = tpu.vector_load %arg8[%swap3A_52] {strides = array<i32>} : memref<128xf32, #tpu.memory_space<vmem>>, vector<16xf32>,
    %swap3A_54 = vector.shape_cast %swap3A_53 : vector<16xf32> to vector<16xf32>
    %swap3A_55 = vector.shape_cast %broadcast_in_dim3A_51 : vector<16xf32> to vector<16xf32>
    tpu.vector_store %arg8[%swap3A_52], %swap3A_55 {strides = array<i32>} : memref<128xf32, #tpu.memory_space<vmem>>, vector<16xf32>,
    %broadcast_in_dim3A_56 = arith.constant 1.000000e+00 : f32
    %broadcast_in_dim3A_57 = vector.broadcast %broadcast_in_dim3A_56 : f32 to vector<16xf32>
    %swap3A_58 = arith.constant 112 : index
    %swap3A_59 = tpu.vector_load %arg8[%swap3A_58] {strides = array<i32>} : memref<128xf32, #tpu.memory_space<vmem>>, vector<16xf32>,
    %swap3A_60 = vector.shape_cast %swap3A_59 : vector<16xf32> to vector<16xf32>
    %swap3A_61 = vector.shape_cast %broadcast_in_dim3A_57 : vector<16xf32> to vector<16xf32>
    tpu.vector_store %arg8[%swap3A_58], %swap3A_61 {strides = array<i32>} : memref<128xf32, #tpu.memory_space<vmem>>, vector<16xf32>,
    %mul3A_62 = arith.constant 640 : i32
    %mul3A_63 = arith.muli %arg1, %mul3A_62 : i32
    %add3A_64 = arith.constant 0 : i32
    %add3A_65 = arith.addi %mul3A_63, %add3A_64 : i32
    %dma_start3A = arith.constant 0 : i32
    %dma_start3A_66 = tpu.memref_slice %arg6[%add3A_65, %dma_start3A] : memref<10240x128xf32, #tpu.memory_space<vmem_shared>> -> memref<64x128xf32, #tpu.memory_space<vmem_shared>>
    %dma_start3A_67 = arith.constant 0 : i32
    %dma_start3A_68 = tpu.memref_slice %arg6[%add3A_65, %dma_start3A_67] : memref<10240x128xf32, #tpu.memory_space<vmem_shared>> -> memref<64x128xf32, #tpu.memory_space<vmem_shared>>
    tpu.enqueue_dma source(%arg10 : memref<64x128xf32, #tpu.memory_space<vmem>>) target(%dma_start3A_68 : memref<64x128xf32, #tpu.memory_space<vmem_shared>>) target_semaphore(%arg40 : memref<!tpu.dma_semaphore, #tpu.memory_space<semaphore_mem>>)
    %mul3A_69 = arith.constant 640 : i32
    %mul3A_70 = arith.muli %arg1, %mul3A_69 : i32
    %add3A_71 = arith.constant 64 : i32
    %add3A_72 = arith.addi %mul3A_70, %add3A_71 : i32
    %dma_start3A_73 = arith.constant 0 : i32
    %dma_start3A_74 = tpu.memref_slice %arg6[%add3A_72, %dma_start3A_73] : memref<10240x128xf32, #tpu.memory_space<vmem_shared>> -> memref<64x128xf32, #tpu.memory_space<vmem_shared>>
    %dma_start3A_75 = arith.constant 0 : i32
    %dma_start3A_76 = tpu.memref_slice %arg6[%add3A_72, %dma_start3A_75] : memref<10240x128xf32, #tpu.memory_space<vmem_shared>> -> memref<64x128xf32, #tpu.memory_space<vmem_shared>>
    tpu.enqueue_dma source(%arg10 : memref<64x128xf32, #tpu.memory_space<vmem>>) target(%dma_start3A_76 : memref<64x128xf32, #tpu.memory_space<vmem_shared>>) target_semaphore(%arg40 : memref<!tpu.dma_semaphore, #tpu.memory_space<semaphore_mem>>)
    %mul3A_77 = arith.constant 640 : i32
    %mul3A_78 = arith.muli %arg1, %mul3A_77 : i32
    %add3A_79 = arith.constant 128 : i32
    %add3A_80 = arith.addi %mul3A_78, %add3A_79 : i32
    %dma_start3A_81 = arith.constant 0 : i32
    %dma_start3A_82 = tpu.memref_slice %arg6[%add3A_80, %dma_start3A_81] : memref<10240x128xf32, #tpu.memory_space<vmem_shared>> -> memref<64x128xf32, #tpu.memory_space<vmem_shared>>
    %dma_start3A_83 = arith.constant 0 : i32
    %dma_start3A_84 = tpu.memref_slice %arg6[%add3A_80, %dma_start3A_83] : memref<10240x128xf32, #tpu.memory_space<vmem_shared>> -> memref<64x128xf32, #tpu.memory_space<vmem_shared>>
    tpu.enqueue_dma source(%arg10 : memref<64x128xf32, #tpu.memory_space<vmem>>) target(%dma_start3A_84 : memref<64x128xf32, #tpu.memory_space<vmem_shared>>) target_semaphore(%arg40 : memref<!tpu.dma_semaphore, #tpu.memory_space<semaphore_mem>>)
    %mul3A_85 = arith.constant 640 : i32
    %mul3A_86 = arith.muli %arg1, %mul3A_85 : i32
    %add3A_87 = arith.constant 192 : i32
    %add3A_88 = arith.addi %mul3A_86, %add3A_87 : i32
    %dma_start3A_89 = arith.constant 0 : i32
    %dma_start3A_90 = tpu.memref_slice %arg6[%add3A_88, %dma_start3A_89] : memref<10240x128xf32, #tpu.memory_space<vmem_shared>> -> memref<64x128xf32, #tpu.memory_space<vmem_shared>>
    %dma_start3A_91 = arith.constant 0 : i32
    %dma_start3A_92 = tpu.memref_slice %arg6[%add3A_88, %dma_start3A_91] : memref<10240x128xf32, #tpu.memory_space<vmem_shared>> -> memref<64x128xf32, #tpu.memory_space<vmem_shared>>
    tpu.enqueue_dma source(%arg10 : memref<64x128xf32, #tpu.memory_space<vmem>>) target(%dma_start3A_92 : memref<64x128xf32, #tpu.memory_space<vmem_shared>>) target_semaphore(%arg40 : memref<!tpu.dma_semaphore, #tpu.memory_space<semaphore_mem>>)
    %mul3A_93 = arith.constant 640 : i32
    %mul3A_94 = arith.muli %arg1, %mul3A_93 : i32
    %add3A_95 = arith.constant 256 : i32
    %add3A_96 = arith.addi %mul3A_94, %add3A_95 : i32
    %dma_start3A_97 = arith.constant 0 : i32
    %dma_start3A_98 = tpu.memref_slice %arg6[%add3A_96, %dma_start3A_97] : memref<10240x128xf32, #tpu.memory_space<vmem_shared>> -> memref<64x128xf32, #tpu.memory_space<vmem_shared>>
    %dma_start3A_99 = arith.constant 0 : i32
    %dma_start3A_100 = tpu.memref_slice %arg6[%add3A_96, %dma_start3A_99] : memref<10240x128xf32, #tpu.memory_space<vmem_shared>> -> memref<64x128xf32, #tpu.memory_space<vmem_shared>>
    tpu.enqueue_dma source(%arg10 : memref<64x128xf32, #tpu.memory_space<vmem>>) target(%dma_start3A_100 : memref<64x128xf32, #tpu.memory_space<vmem_shared>>) target_semaphore(%arg40 : memref<!tpu.dma_semaphore, #tpu.memory_space<semaphore_mem>>)
    %mul3A_101 = arith.constant 640 : i32
    %mul3A_102 = arith.muli %arg1, %mul3A_101 : i32
    %add3A_103 = arith.constant 320 : i32
    %add3A_104 = arith.addi %mul3A_102, %add3A_103 : i32
    %dma_start3A_105 = arith.constant 0 : i32
    %dma_start3A_106 = tpu.memref_slice %arg6[%add3A_104, %dma_start3A_105] : memref<10240x128xf32, #tpu.memory_space<vmem_shared>> -> memref<64x128xf32, #tpu.memory_space<vmem_shared>>
    %dma_start3A_107 = arith.constant 0 : i32
    %dma_start3A_108 = tpu.memref_slice %arg6[%add3A_104, %dma_start3A_107] : memref<10240x128xf32, #tpu.memory_space<vmem_shared>> -> memref<64x128xf32, #tpu.memory_space<vmem_shared>>
    tpu.enqueue_dma source(%arg10 : memref<64x128xf32, #tpu.memory_space<vmem>>) target(%dma_start3A_108 : memref<64x128xf32, #tpu.memory_space<vmem_shared>>) target_semaphore(%arg40 : memref<!tpu.dma_semaphore, #tpu.memory_space<semaphore_mem>>)
    %mul3A_109 = arith.constant 640 : i32
    %mul3A_110 = arith.muli %arg1, %mul3A_109 : i32
    %add3A_111 = arith.constant 384 : i32
    %add3A_112 = arith.addi %mul3A_110, %add3A_111 : i32
    %dma_start3A_113 = arith.constant 0 : i32
    %dma_start3A_114 = tpu.memref_slice %arg6[%add3A_112, %dma_start3A_113] : memref<10240x128xf32, #tpu.memory_space<vmem_shared>> -> memref<64x128xf32, #tpu.memory_space<vmem_shared>>
    %dma_start3A_115 = arith.constant 0 : i32
    %dma_start3A_116 = tpu.memref_slice %arg6[%add3A_112, %dma_start3A_115] : memref<10240x128xf32, #tpu.memory_space<vmem_shared>> -> memref<64x128xf32, #tpu.memory_space<vmem_shared>>
    tpu.enqueue_dma source(%arg10 : memref<64x128xf32, #tpu.memory_space<vmem>>) target(%dma_start3A_116 : memref<64x128xf32, #tpu.memory_space<vmem_shared>>) target_semaphore(%arg40 : memref<!tpu.dma_semaphore, #tpu.memory_space<semaphore_mem>>)
    %mul3A_117 = arith.constant 640 : i32
    %mul3A_118 = arith.muli %arg1, %mul3A_117 : i32
    %add3A_119 = arith.constant 448 : i32
    %add3A_120 = arith.addi %mul3A_118, %add3A_119 : i32
    %dma_start3A_121 = arith.constant 0 : i32
    %dma_start3A_122 = tpu.memref_slice %arg6[%add3A_120, %dma_start3A_121] : memref<10240x128xf32, #tpu.memory_space<vmem_shared>> -> memref<64x128xf32, #tpu.memory_space<vmem_shared>>
    %dma_start3A_123 = arith.constant 0 : i32
    %dma_start3A_124 = tpu.memref_slice %arg6[%add3A_120, %dma_start3A_123] : memref<10240x128xf32, #tpu.memory_space<vmem_shared>> -> memref<64x128xf32, #tpu.memory_space<vmem_shared>>
    tpu.enqueue_dma source(%arg10 : memref<64x128xf32, #tpu.memory_space<vmem>>) target(%dma_start3A_124 : memref<64x128xf32, #tpu.memory_space<vmem_shared>>) target_semaphore(%arg40 : memref<!tpu.dma_semaphore, #tpu.memory_space<semaphore_mem>>)
    %mul3A_125 = arith.constant 640 : i32
    %mul3A_126 = arith.muli %arg1, %mul3A_125 : i32
    %add3A_127 = arith.constant 512 : i32
    %add3A_128 = arith.addi %mul3A_126, %add3A_127 : i32
    %dma_start3A_129 = arith.constant 0 : i32
    %dma_start3A_130 = tpu.memref_slice %arg6[%add3A_128, %dma_start3A_129] : memref<10240x128xf32, #tpu.memory_space<vmem_shared>> -> memref<64x128xf32, #tpu.memory_space<vmem_shared>>
    %dma_start3A_131 = arith.constant 0 : i32
    %dma_start3A_132 = tpu.memref_slice %arg6[%add3A_128, %dma_start3A_131] : memref<10240x128xf32, #tpu.memory_space<vmem_shared>> -> memref<64x128xf32, #tpu.memory_space<vmem_shared>>
    tpu.enqueue_dma source(%arg10 : memref<64x128xf32, #tpu.memory_space<vmem>>) target(%dma_start3A_132 : memref<64x128xf32, #tpu.memory_space<vmem_shared>>) target_semaphore(%arg40 : memref<!tpu.dma_semaphore, #tpu.memory_space<semaphore_mem>>)
    %mul3A_133 = arith.constant 640 : i32
    %mul3A_134 = arith.muli %arg1, %mul3A_133 : i32
    %add3A_135 = arith.constant 576 : i32
    %add3A_136 = arith.addi %mul3A_134, %add3A_135 : i32
    %dma_start3A_137 = arith.constant 0 : i32
    %dma_start3A_138 = tpu.memref_slice %arg6[%add3A_136, %dma_start3A_137] : memref<10240x128xf32, #tpu.memory_space<vmem_shared>> -> memref<64x128xf32, #tpu.memory_space<vmem_shared>>
    %dma_start3A_139 = arith.constant 0 : i32
    %dma_start3A_140 = tpu.memref_slice %arg6[%add3A_136, %dma_start3A_139] : memref<10240x128xf32, #tpu.memory_space<vmem_shared>> -> memref<64x128xf32, #tpu.memory_space<vmem_shared>>
    tpu.enqueue_dma source(%arg10 : memref<64x128xf32, #tpu.memory_space<vmem>>) target(%dma_start3A_140 : memref<64x128xf32, #tpu.memory_space<vmem_shared>>) target_semaphore(%arg40 : memref<!tpu.dma_semaphore, #tpu.memory_space<semaphore_mem>>)
    %mul3A_141 = arith.constant 640 : i32
    %mul3A_142 = arith.muli %arg1, %mul3A_141 : i32
    %dma_start3A_143 = tpu.memref_slice %arg7[%mul3A_142] : memref<10240xf32, #tpu.memory_space<vmem_shared>> -> memref<640xf32, #tpu.memory_space<vmem_shared>>
    %dma_start3A_144 = tpu.memref_slice %arg7[%mul3A_142] : memref<10240xf32, #tpu.memory_space<vmem_shared>> -> memref<640xf32, #tpu.memory_space<vmem_shared>>
    tpu.enqueue_dma source(%arg9 : memref<640xf32, #tpu.memory_space<vmem>>) target(%dma_start3A_144 : memref<640xf32, #tpu.memory_space<vmem_shared>>) target_semaphore(%arg40 : memref<!tpu.dma_semaphore, #tpu.memory_space<semaphore_mem>>)
    %add3A_145 = arith.constant 0 : i32
    %add3A_146 = arith.addi %add3A, %add3A_145 : i32
    %mul3A_147 = arith.constant 128 : i32
    %mul3A_148 = arith.muli %add3A_146, %mul3A_147 : i32
    %multiple_of3A = tpu.assume_multiple %mul3A_148, 128 : i32
    %add3A_149 = arith.constant 320000 : i32
    %add3A_150 = arith.addi %add3A_149, %multiple_of3A : i32
    %dma_start3A_151 = tpu.memref_slice %arg3[%add3A_150] : memref<640000xi32, #tpu.memory_space<hbm>> -> memref<128xi32, #tpu.memory_space<hbm>>
    %dma_start3A_152 = tpu.memref_slice %arg3[%add3A_150] : memref<640000xi32, #tpu.memory_space<hbm>> -> memref<128xi32, #tpu.memory_space<hbm>>
    tpu.enqueue_dma source(%dma_start3A_152 : memref<128xi32, #tpu.memory_space<hbm>>) target(%arg12 : memref<128xi32, #tpu.memory_space<vmem>>) target_semaphore(%arg26 : memref<!tpu.dma_semaphore, #tpu.memory_space<semaphore_mem>>)
    %dma_start3A_153 = tpu.memref_slice %arg3[%multiple_of3A] : memref<640000xi32, #tpu.memory_space<hbm>> -> memref<128xi32, #tpu.memory_space<hbm>>
    %dma_start3A_154 = tpu.memref_slice %arg3[%multiple_of3A] : memref<640000xi32, #tpu.memory_space<hbm>> -> memref<128xi32, #tpu.memory_space<hbm>>
    tpu.enqueue_dma source(%dma_start3A_154 : memref<128xi32, #tpu.memory_space<hbm>>) target(%arg18 : memref<128xi32, #tpu.memory_space<vmem>>) target_semaphore(%arg26 : memref<!tpu.dma_semaphore, #tpu.memory_space<semaphore_mem>>)
    %add3A_155 = arith.constant 32 : i32
    %add3A_156 = arith.addi %add3A, %add3A_155 : i32
    %mul3A_157 = arith.constant 128 : i32
    %mul3A_158 = arith.muli %add3A_156, %mul3A_157 : i32
    %multiple_of3A_159 = tpu.assume_multiple %mul3A_158, 128 : i32
    %add3A_160 = arith.constant 320000 : i32
    %add3A_161 = arith.addi %add3A_160, %multiple_of3A_159 : i32
    %dma_start3A_162 = tpu.memref_slice %arg3[%add3A_161] : memref<640000xi32, #tpu.memory_space<hbm>> -> memref<128xi32, #tpu.memory_space<hbm>>
    %dma_start3A_163 = tpu.memref_slice %arg3[%add3A_161] : memref<640000xi32, #tpu.memory_space<hbm>> -> memref<128xi32, #tpu.memory_space<hbm>>
    tpu.enqueue_dma source(%dma_start3A_163 : memref<128xi32, #tpu.memory_space<hbm>>) target(%arg13 : memref<128xi32, #tpu.memory_space<vmem>>) target_semaphore(%arg27 : memref<!tpu.dma_semaphore, #tpu.memory_space<semaphore_mem>>)
    %dma_start3A_164 = tpu.memref_slice %arg3[%multiple_of3A_159] : memref<640000xi32, #tpu.memory_space<hbm>> -> memref<128xi32, #tpu.memory_space<hbm>>
    %dma_start3A_165 = tpu.memref_slice %arg3[%multiple_of3A_159] : memref<640000xi32, #tpu.memory_space<hbm>> -> memref<128xi32, #tpu.memory_space<hbm>>
    tpu.enqueue_dma source(%dma_start3A_165 : memref<128xi32, #tpu.memory_space<hbm>>) target(%arg19 : memref<128xi32, #tpu.memory_space<vmem>>) target_semaphore(%arg27 : memref<!tpu.dma_semaphore, #tpu.memory_space<semaphore_mem>>)
    %add3A_166 = arith.constant 64 : i32
    %add3A_167 = arith.addi %add3A, %add3A_166 : i32
    %mul3A_168 = arith.constant 128 : i32
    %mul3A_169 = arith.muli %add3A_167, %mul3A_168 : i32
    %multiple_of3A_170 = tpu.assume_multiple %mul3A_169, 128 : i32
    %add3A_171 = arith.constant 320000 : i32
    %add3A_172 = arith.addi %add3A_171, %multiple_of3A_170 : i32
    %dma_start3A_173 = tpu.memref_slice %arg3[%add3A_172] : memref<640000xi32, #tpu.memory_space<hbm>> -> memref<128xi32, #tpu.memory_space<hbm>>
    %dma_start3A_174 = tpu.memref_slice %arg3[%add3A_172] : memref<640000xi32, #tpu.memory_space<hbm>> -> memref<128xi32, #tpu.memory_space<hbm>>
    tpu.enqueue_dma source(%dma_start3A_174 : memref<128xi32, #tpu.memory_space<hbm>>) target(%arg14 : memref<128xi32, #tpu.memory_space<vmem>>) target_semaphore(%arg28 : memref<!tpu.dma_semaphore, #tpu.memory_space<semaphore_mem>>)
    %dma_start3A_175 = tpu.memref_slice %arg3[%multiple_of3A_170] : memref<640000xi32, #tpu.memory_space<hbm>> -> memref<128xi32, #tpu.memory_space<hbm>>
    %dma_start3A_176 = tpu.memref_slice %arg3[%multiple_of3A_170] : memref<640000xi32, #tpu.memory_space<hbm>> -> memref<128xi32, #tpu.memory_space<hbm>>
    tpu.enqueue_dma source(%dma_start3A_176 : memref<128xi32, #tpu.memory_space<hbm>>) target(%arg20 : memref<128xi32, #tpu.memory_space<vmem>>) target_semaphore(%arg28 : memref<!tpu.dma_semaphore, #tpu.memory_space<semaphore_mem>>)
    %add3A_177 = arith.constant 96 : i32
    %add3A_178 = arith.addi %add3A, %add3A_177 : i32
    %mul3A_179 = arith.constant 128 : i32
    %mul3A_180 = arith.muli %add3A_178, %mul3A_179 : i32
    %multiple_of3A_181 = tpu.assume_multiple %mul3A_180, 128 : i32
    %add3A_182 = arith.constant 320000 : i32
    %add3A_183 = arith.addi %add3A_182, %multiple_of3A_181 : i32
    %dma_start3A_184 = tpu.memref_slice %arg3[%add3A_183] : memref<640000xi32, #tpu.memory_space<hbm>> -> memref<128xi32, #tpu.memory_space<hbm>>
    %dma_start3A_185 = tpu.memref_slice %arg3[%add3A_183] : memref<640000xi32, #tpu.memory_space<hbm>> -> memref<128xi32, #tpu.memory_space<hbm>>
    tpu.enqueue_dma source(%dma_start3A_185 : memref<128xi32, #tpu.memory_space<hbm>>) target(%arg15 : memref<128xi32, #tpu.memory_space<vmem>>) target_semaphore(%arg29 : memref<!tpu.dma_semaphore, #tpu.memory_space<semaphore_mem>>)
    %dma_start3A_186 = tpu.memref_slice %arg3[%multiple_of3A_181] : memref<640000xi32, #tpu.memory_space<hbm>> -> memref<128xi32, #tpu.memory_space<hbm>>
    %dma_start3A_187 = tpu.memref_slice %arg3[%multiple_of3A_181] : memref<640000xi32, #tpu.memory_space<hbm>> -> memref<128xi32, #tpu.memory_space<hbm>>
    tpu.enqueue_dma source(%dma_start3A_187 : memref<128xi32, #tpu.memory_space<hbm>>) target(%arg21 : memref<128xi32, #tpu.memory_space<vmem>>) target_semaphore(%arg29 : memref<!tpu.dma_semaphore, #tpu.memory_space<semaphore_mem>>)
    %dma_wait3A = arith.constant 0 : i32
    %dma_wait3A_188 = tpu.memref_slice %arg3[%dma_wait3A] : memref<640000xi32, #tpu.memory_space<hbm>> -> memref<128xi32, #tpu.memory_space<hbm>>
    %dma_wait3A_189 = arith.constant 0 : i32
    %dma_wait3A_190 = tpu.memref_slice %arg3[%dma_wait3A_189] : memref<640000xi32, #tpu.memory_space<hbm>> -> memref<128xi32, #tpu.memory_space<hbm>>
    tpu.wait_dma2 semaphore(%arg26 : memref<!tpu.dma_semaphore, #tpu.memory_space<semaphore_mem>>) src(%dma_wait3A_190 : memref<128xi32, #tpu.memory_space<hbm>>) dst(%arg12 : memref<128xi32, #tpu.memory_space<vmem>>)
    %dma_wait3A_191 = arith.constant 0 : i32
    %dma_wait3A_192 = tpu.memref_slice %arg3[%dma_wait3A_191] : memref<640000xi32, #tpu.memory_space<hbm>> -> memref<128xi32, #tpu.memory_space<hbm>>
    %dma_wait3A_193 = arith.constant 0 : i32
    %dma_wait3A_194 = tpu.memref_slice %arg3[%dma_wait3A_193] : memref<640000xi32, #tpu.memory_space<hbm>> -> memref<128xi32, #tpu.memory_space<hbm>>
    tpu.wait_dma2 semaphore(%arg26 : memref<!tpu.dma_semaphore, #tpu.memory_space<semaphore_mem>>) src(%dma_wait3A_194 : memref<128xi32, #tpu.memory_space<hbm>>) dst(%arg18 : memref<128xi32, #tpu.memory_space<vmem>>)
    %dma_start3A_195 = arith.constant 0 : i32
    %dma_start3A_196 = arith.constant 0 : i32
    %dma_start3A_197 = tpu.memref_slice %arg2[%dma_start3A_195, %dma_start3A_196] : memref<10000x128xf32, #tpu.memory_space<hbm>> -> memref<10000x128xf32, #tpu.memory_space<hbm>>
    tpu.enqueue_indirect_dma source(%dma_start3A_197 : memref<10000x128xf32, #tpu.memory_space<hbm>>) target(%arg24 : memref<128x128xf32, #tpu.memory_space<vmem>>) offsets(%arg12 : memref<128xi32, #tpu.memory_space<vmem>>) semaphore(%arg32 : memref<!tpu.dma_semaphore, #tpu.memory_space<semaphore_mem>>)
    %dma_wait3A_198 = arith.constant 0 : i32
    %dma_wait3A_199 = tpu.memref_slice %arg3[%dma_wait3A_198] : memref<640000xi32, #tpu.memory_space<hbm>> -> memref<128xi32, #tpu.memory_space<hbm>>
    %dma_wait3A_200 = arith.constant 0 : i32
    %dma_wait3A_201 = tpu.memref_slice %arg3[%dma_wait3A_200] : memref<640000xi32, #tpu.memory_space<hbm>> -> memref<128xi32, #tpu.memory_space<hbm>>
    tpu.wait_dma2 semaphore(%arg27 : memref<!tpu.dma_semaphore, #tpu.memory_space<semaphore_mem>>) src(%dma_wait3A_201 : memref<128xi32, #tpu.memory_space<hbm>>) dst(%arg13 : memref<128xi32, #tpu.memory_space<vmem>>)
    %dma_wait3A_202 = arith.constant 0 : i32
    %dma_wait3A_203 = tpu.memref_slice %arg3[%dma_wait3A_202] : memref<640000xi32, #tpu.memory_space<hbm>> -> memref<128xi32, #tpu.memory_space<hbm>>
    %dma_wait3A_204 = arith.constant 0 : i32
    %dma_wait3A_205 = tpu.memref_slice %arg3[%dma_wait3A_204] : memref<640000xi32, #tpu.memory_space<hbm>> -> memref<128xi32, #tpu.memory_space<hbm>>
    tpu.wait_dma2 semaphore(%arg27 : memref<!tpu.dma_semaphore, #tpu.memory_space<semaphore_mem>>) src(%dma_wait3A_205 : memref<128xi32, #tpu.memory_space<hbm>>) dst(%arg19 : memref<128xi32, #tpu.memory_space<vmem>>)
    %dma_start3A_206 = arith.constant 0 : i32
    %dma_start3A_207 = arith.constant 0 : i32
    %dma_start3A_208 = tpu.memref_slice %arg2[%dma_start3A_206, %dma_start3A_207] : memref<10000x128xf32, #tpu.memory_space<hbm>> -> memref<10000x128xf32, #tpu.memory_space<hbm>>
    tpu.enqueue_indirect_dma source(%dma_start3A_208 : memref<10000x128xf32, #tpu.memory_space<hbm>>) target(%arg25 : memref<128x128xf32, #tpu.memory_space<vmem>>) offsets(%arg13 : memref<128xi32, #tpu.memory_space<vmem>>) semaphore(%arg33 : memref<!tpu.dma_semaphore, #tpu.memory_space<semaphore_mem>>)
    %dma_wait3A_209 = arith.constant 0 : i32
    %dma_wait3A_210 = tpu.memref_slice %arg6[%add3A_65, %dma_wait3A_209] : memref<10240x128xf32, #tpu.memory_space<vmem_shared>> -> memref<64x128xf32, #tpu.memory_space<vmem_shared>>
    %dma_wait3A_211 = arith.constant 0 : i32
    %dma_wait3A_212 = tpu.memref_slice %arg6[%add3A_65, %dma_wait3A_211] : memref<10240x128xf32, #tpu.memory_space<vmem_shared>> -> memref<64x128xf32, #tpu.memory_space<vmem_shared>>
    tpu.wait_dma2 semaphore(%arg40 : memref<!tpu.dma_semaphore, #tpu.memory_space<semaphore_mem>>) src(%arg10 : memref<64x128xf32, #tpu.memory_space<vmem>>) dst(%dma_wait3A_212 : memref<64x128xf32, #tpu.memory_space<vmem_shared>>)
    %dma_wait3A_213 = arith.constant 0 : i32
    %dma_wait3A_214 = tpu.memref_slice %arg6[%add3A_72, %dma_wait3A_213] : memref<10240x128xf32, #tpu.memory_space<vmem_shared>> -> memref<64x128xf32, #tpu.memory_space<vmem_shared>>
    %dma_wait3A_215 = arith.constant 0 : i32
    %dma_wait3A_216 = tpu.memref_slice %arg6[%add3A_72, %dma_wait3A_215] : memref<10240x128xf32, #tpu.memory_space<vmem_shared>> -> memref<64x128xf32, #tpu.memory_space<vmem_shared>>
    tpu.wait_dma2 semaphore(%arg40 : memref<!tpu.dma_semaphore, #tpu.memory_space<semaphore_mem>>) src(%arg10 : memref<64x128xf32, #tpu.memory_space<vmem>>) dst(%dma_wait3A_216 : memref<64x128xf32, #tpu.memory_space<vmem_shared>>)
    %dma_wait3A_217 = arith.constant 0 : i32
    %dma_wait3A_218 = tpu.memref_slice %arg6[%add3A_80, %dma_wait3A_217] : memref<10240x128xf32, #tpu.memory_space<vmem_shared>> -> memref<64x128xf32, #tpu.memory_space<vmem_shared>>
    %dma_wait3A_219 = arith.constant 0 : i32
    %dma_wait3A_220 = tpu.memref_slice %arg6[%add3A_80, %dma_wait3A_219] : memref<10240x128xf32, #tpu.memory_space<vmem_shared>> -> memref<64x128xf32, #tpu.memory_space<vmem_shared>>
    tpu.wait_dma2 semaphore(%arg40 : memref<!tpu.dma_semaphore, #tpu.memory_space<semaphore_mem>>) src(%arg10 : memref<64x128xf32, #tpu.memory_space<vmem>>) dst(%dma_wait3A_220 : memref<64x128xf32, #tpu.memory_space<vmem_shared>>)
    %dma_wait3A_221 = arith.constant 0 : i32
    %dma_wait3A_222 = tpu.memref_slice %arg6[%add3A_88, %dma_wait3A_221] : memref<10240x128xf32, #tpu.memory_space<vmem_shared>> -> memref<64x128xf32, #tpu.memory_space<vmem_shared>>
    %dma_wait3A_223 = arith.constant 0 : i32
    %dma_wait3A_224 = tpu.memref_slice %arg6[%add3A_88, %dma_wait3A_223] : memref<10240x128xf32, #tpu.memory_space<vmem_shared>> -> memref<64x128xf32, #tpu.memory_space<vmem_shared>>
    tpu.wait_dma2 semaphore(%arg40 : memref<!tpu.dma_semaphore, #tpu.memory_space<semaphore_mem>>) src(%arg10 : memref<64x128xf32, #tpu.memory_space<vmem>>) dst(%dma_wait3A_224 : memref<64x128xf32, #tpu.memory_space<vmem_shared>>)
    %dma_wait3A_225 = arith.constant 0 : i32
    %dma_wait3A_226 = tpu.memref_slice %arg6[%add3A_96, %dma_wait3A_225] : memref<10240x128xf32, #tpu.memory_space<vmem_shared>> -> memref<64x128xf32, #tpu.memory_space<vmem_shared>>
    %dma_wait3A_227 = arith.constant 0 : i32
    %dma_wait3A_228 = tpu.memref_slice %arg6[%add3A_96, %dma_wait3A_227] : memref<10240x128xf32, #tpu.memory_space<vmem_shared>> -> memref<64x128xf32, #tpu.memory_space<vmem_shared>>
    tpu.wait_dma2 semaphore(%arg40 : memref<!tpu.dma_semaphore, #tpu.memory_space<semaphore_mem>>) src(%arg10 : memref<64x128xf32, #tpu.memory_space<vmem>>) dst(%dma_wait3A_228 : memref<64x128xf32, #tpu.memory_space<vmem_shared>>)
    %dma_wait3A_229 = arith.constant 0 : i32
    %dma_wait3A_230 = tpu.memref_slice %arg6[%add3A_104, %dma_wait3A_229] : memref<10240x128xf32, #tpu.memory_space<vmem_shared>> -> memref<64x128xf32, #tpu.memory_space<vmem_shared>>
    %dma_wait3A_231 = arith.constant 0 : i32
    %dma_wait3A_232 = tpu.memref_slice %arg6[%add3A_104, %dma_wait3A_231] : memref<10240x128xf32, #tpu.memory_space<vmem_shared>> -> memref<64x128xf32, #tpu.memory_space<vmem_shared>>
    tpu.wait_dma2 semaphore(%arg40 : memref<!tpu.dma_semaphore, #tpu.memory_space<semaphore_mem>>) src(%arg10 : memref<64x128xf32, #tpu.memory_space<vmem>>) dst(%dma_wait3A_232 : memref<64x128xf32, #tpu.memory_space<vmem_shared>>)
    %dma_wait3A_233 = arith.constant 0 : i32
    %dma_wait3A_234 = tpu.memref_slice %arg6[%add3A_112, %dma_wait3A_233] : memref<10240x128xf32, #tpu.memory_space<vmem_shared>> -> memref<64x128xf32, #tpu.memory_space<vmem_shared>>
    %dma_wait3A_235 = arith.constant 0 : i32
    %dma_wait3A_236 = tpu.memref_slice %arg6[%add3A_112, %dma_wait3A_235] : memref<10240x128xf32, #tpu.memory_space<vmem_shared>> -> memref<64x128xf32, #tpu.memory_space<vmem_shared>>
    tpu.wait_dma2 semaphore(%arg40 : memref<!tpu.dma_semaphore, #tpu.memory_space<semaphore_mem>>) src(%arg10 : memref<64x128xf32, #tpu.memory_space<vmem>>) dst(%dma_wait3A_236 : memref<64x128xf32, #tpu.memory_space<vmem_shared>>)
    %dma_wait3A_237 = arith.constant 0 : i32
    %dma_wait3A_238 = tpu.memref_slice %arg6[%add3A_120, %dma_wait3A_237] : memref<10240x128xf32, #tpu.memory_space<vmem_shared>> -> memref<64x128xf32, #tpu.memory_space<vmem_shared>>
    %dma_wait3A_239 = arith.constant 0 : i32
    %dma_wait3A_240 = tpu.memref_slice %arg6[%add3A_120, %dma_wait3A_239] : memref<10240x128xf32, #tpu.memory_space<vmem_shared>> -> memref<64x128xf32, #tpu.memory_space<vmem_shared>>
    tpu.wait_dma2 semaphore(%arg40 : memref<!tpu.dma_semaphore, #tpu.memory_space<semaphore_mem>>) src(%arg10 : memref<64x128xf32, #tpu.memory_space<vmem>>) dst(%dma_wait3A_240 : memref<64x128xf32, #tpu.memory_space<vmem_shared>>)
    %dma_wait3A_241 = arith.constant 0 : i32
    %dma_wait3A_242 = tpu.memref_slice %arg6[%add3A_128, %dma_wait3A_241] : memref<10240x128xf32, #tpu.memory_space<vmem_shared>> -> memref<64x128xf32, #tpu.memory_space<vmem_shared>>
    %dma_wait3A_243 = arith.constant 0 : i32
    %dma_wait3A_244 = tpu.memref_slice %arg6[%add3A_128, %dma_wait3A_243] : memref<10240x128xf32, #tpu.memory_space<vmem_shared>> -> memref<64x128xf32, #tpu.memory_space<vmem_shared>>
    tpu.wait_dma2 semaphore(%arg40 : memref<!tpu.dma_semaphore, #tpu.memory_space<semaphore_mem>>) src(%arg10 : memref<64x128xf32, #tpu.memory_space<vmem>>) dst(%dma_wait3A_244 : memref<64x128xf32, #tpu.memory_space<vmem_shared>>)
    %dma_wait3A_245 = arith.constant 0 : i32
    %dma_wait3A_246 = tpu.memref_slice %arg6[%add3A_136, %dma_wait3A_245] : memref<10240x128xf32, #tpu.memory_space<vmem_shared>> -> memref<64x128xf32, #tpu.memory_space<vmem_shared>>
    %dma_wait3A_247 = arith.constant 0 : i32
    %dma_wait3A_248 = tpu.memref_slice %arg6[%add3A_136, %dma_wait3A_247] : memref<10240x128xf32, #tpu.memory_space<vmem_shared>> -> memref<64x128xf32, #tpu.memory_space<vmem_shared>>
    tpu.wait_dma2 semaphore(%arg40 : memref<!tpu.dma_semaphore, #tpu.memory_space<semaphore_mem>>) src(%arg10 : memref<64x128xf32, #tpu.memory_space<vmem>>) dst(%dma_wait3A_248 : memref<64x128xf32, #tpu.memory_space<vmem_shared>>)
    %dma_wait3A_249 = tpu.memref_slice %arg7[%mul3A_142] : memref<10240xf32, #tpu.memory_space<vmem_shared>> -> memref<640xf32, #tpu.memory_space<vmem_shared>>
    %dma_wait3A_250 = tpu.memref_slice %arg7[%mul3A_142] : memref<10240xf32, #tpu.memory_space<vmem_shared>> -> memref<640xf32, #tpu.memory_space<vmem_shared>>
    tpu.wait_dma2 semaphore(%arg40 : memref<!tpu.dma_semaphore, #tpu.memory_space<semaphore_mem>>) src(%arg9 : memref<640xf32, #tpu.memory_space<vmem>>) dst(%dma_wait3A_250 : memref<640xf32, #tpu.memory_space<vmem_shared>>)
    %barrier3A = arith.constant 0 : index
    tpu.barrier barrier_id(%barrier3A)
    %scan3A_251 = arith.constant 0 : i32
    %scan3A_252 = arith.constant 0 : i32
    %scan3A_253 = arith.constant 13 : i32
    %scan3A_254 = arith.addi %scan3A_252, %scan3A_253 : i32
    %scan3A_255 = arith.constant 1 : i32
    %scan3A_256 = scf.for %scan3A_284 = %scan3A_252 to %scan3A_254 step %scan3A_255 iter_args(%scan3A_285 = %scan3A_251) -> (i32)  : i32 {
      %mul3A_286 = arith.constant 6 : i32
      %mul3A_287 = arith.muli %scan3A_284, %mul3A_286 : i32
      %dma_wait3A_288 = arith.constant 0 : i32
      %dma_wait3A_289 = arith.constant 0 : i32
      %dma_wait3A_290 = tpu.memref_slice %arg2[%dma_wait3A_288, %dma_wait3A_289] : memref<10000x128xf32, #tpu.memory_space<hbm>> -> memref<10000x128xf32, #tpu.memory_space<hbm>>
      tpu.wait_indirect_dma semaphore(%arg32 : memref<!tpu.dma_semaphore, #tpu.memory_space<semaphore_mem>>) src(%dma_wait3A_290 : memref<10000x128xf32, #tpu.memory_space<hbm>>) dst(%arg24 : memref<128x128xf32, #tpu.memory_space<vmem>>)
      "tpu.region"() ({
        %run_scoped3A = tpu.sem_alloc : memref<!tpu.dma_semaphore, #tpu.memory_space<semaphore_mem>>
        %dma_start3A_468 = arith.constant 0 : i32
        %dma_start3A_469 = arith.constant 0 : i32
        %dma_start3A_470 = tpu.memref_slice %arg6[%dma_start3A_468, %dma_start3A_469] : memref<10240x128xf32, #tpu.memory_space<vmem_shared>> -> memref<10240x128xf32, #tpu.memory_space<vmem_shared>>
        tpu.enqueue_indirect_dma source(%arg24 : memref<128x128xf32, #tpu.memory_space<vmem>>) target(%dma_start3A_470 : memref<10240x128xf32, #tpu.memory_space<vmem_shared>>) offsets(%arg18 : memref<128xi32, #tpu.memory_space<vmem>>) semaphore(%run_scoped3A : memref<!tpu.dma_semaphore, #tpu.memory_space<semaphore_mem>>) {add = true}
        %dma_wait3A_471 = arith.constant 0 : i32
        %dma_wait3A_472 = arith.constant 0 : i32
        %dma_wait3A_473 = tpu.memref_slice %arg6[%dma_wait3A_471, %dma_wait3A_472] : memref<10240x128xf32, #tpu.memory_space<vmem_shared>> -> memref<10240x128xf32, #tpu.memory_space<vmem_shared>>
        tpu.wait_indirect_dma semaphore(%run_scoped3A : memref<!tpu.dma_semaphore, #tpu.memory_space<semaphore_mem>>) src(%arg24 : memref<128x128xf32, #tpu.memory_space<vmem>>) dst(%dma_wait3A_473 : memref<10240x128xf32, #tpu.memory_space<vmem_shared>>)
        tpu.yield
      }) : () -> ()
      %dma_start3A_291 = arith.constant 0 : i32
      %dma_start3A_292 = tpu.memref_slice %arg7[%dma_start3A_291] : memref<10240xf32, #tpu.memory_space<vmem_shared>> -> memref<10240xf32, #tpu.memory_space<vmem_shared>>
      tpu.enqueue_indirect_dma source(%arg8 : memref<128xf32, #tpu.memory_space<vmem>>) target(%dma_start3A_292 : memref<10240xf32, #tpu.memory_space<vmem_shared>>) offsets(%arg18 : memref<128xi32, #tpu.memory_space<vmem>>) semaphore(%arg34 : memref<!tpu.dma_semaphore, #tpu.memory_space<semaphore_mem>>) {add = true}
      %add3A_293 = arith.constant 0 : i32
      %add3A_294 = arith.addi %mul3A_287, %add3A_293 : i32
      %ge3A = arith.constant 2 : i32
      %ge3A_295 = arith.cmpi sge, %add3A_294, %ge3A : i32
      %convert_element_type3A_296 = arith.extui %ge3A_295 : i1 to i32
      %cond3A_297 = arith.constant 0 : i32
      %cond3A_298 = arith.cmpi ne, %convert_element_type3A_296, %cond3A_297 : i32
      scf.if %cond3A_298 {
        %dma_wait3A_468 = arith.constant 0 : i32
        %dma_wait3A_469 = tpu.memref_slice %arg7[%dma_wait3A_468] : memref<10240xf32, #tpu.memory_space<vmem_shared>> -> memref<10240xf32, #tpu.memory_space<vmem_shared>>
        tpu.wait_indirect_dma semaphore(%arg38 : memref<!tpu.dma_semaphore, #tpu.memory_space<semaphore_mem>>) src(%arg8 : memref<128xf32, #tpu.memory_space<vmem>>) dst(%dma_wait3A_469 : memref<10240xf32, #tpu.memory_space<vmem_shared>>)
      } else {
      }
      %add3A_299 = arith.constant 0 : i32
      %add3A_300 = arith.addi %mul3A_287, %add3A_299 : i32
      %add3A_301 = arith.constant 4 : i32
      %add3A_302 = arith.addi %add3A_300, %add3A_301 : i32
      %lt3A_303 = arith.constant 78 : i32
      %lt3A_304 = arith.cmpi slt, %add3A_302, %lt3A_303 : i32
      %convert_element_type3A_305 = arith.extui %lt3A_304 : i1 to i32
      %cond3A_306 = arith.constant 0 : i32
      %cond3A_307 = arith.cmpi ne, %convert_element_type3A_305, %cond3A_306 : i32
      scf.if %cond3A_307 {
        %add3A_468 = arith.constant 0 : i32
        %add3A_469 = arith.addi %mul3A_287, %add3A_468 : i32
        %add3A_470 = arith.constant 4 : i32
        %add3A_471 = arith.addi %add3A_469, %add3A_470 : i32
        %mul3A_472 = arith.constant 32 : i32
        %mul3A_473 = arith.muli %add3A_471, %mul3A_472 : i32
        %add3A_474 = arith.addi %add3A, %mul3A_473 : i32
        %mul3A_475 = arith.constant 128 : i32
        %mul3A_476 = arith.muli %add3A_474, %mul3A_475 : i32
        %multiple_of3A_477 = tpu.assume_multiple %mul3A_476, 128 : i32
        %add3A_478 = arith.constant 320000 : i32
        %add3A_479 = arith.addi %add3A_478, %multiple_of3A_477 : i32
        %dma_start3A_480 = tpu.memref_slice %arg3[%add3A_479] : memref<640000xi32, #tpu.memory_space<hbm>> -> memref<128xi32, #tpu.memory_space<hbm>>
        %dma_start3A_481 = tpu.memref_slice %arg3[%add3A_479] : memref<640000xi32, #tpu.memory_space<hbm>> -> memref<128xi32, #tpu.memory_space<hbm>>
        tpu.enqueue_dma source(%dma_start3A_481 : memref<128xi32, #tpu.memory_space<hbm>>) target(%arg16 : memref<128xi32, #tpu.memory_space<vmem>>) target_semaphore(%arg30 : memref<!tpu.dma_semaphore, #tpu.memory_space<semaphore_mem>>)
        %dma_start3A_482 = tpu.memref_slice %arg3[%multiple_of3A_477] : memref<640000xi32, #tpu.memory_space<hbm>> -> memref<128xi32, #tpu.memory_space<hbm>>
        %dma_start3A_483 = tpu.memref_slice %arg3[%multiple_of3A_477] : memref<640000xi32, #tpu.memory_space<hbm>> -> memref<128xi32, #tpu.memory_space<hbm>>
        tpu.enqueue_dma source(%dma_start3A_483 : memref<128xi32, #tpu.memory_space<hbm>>) target(%arg22 : memref<128xi32, #tpu.memory_space<vmem>>) target_semaphore(%arg30 : memref<!tpu.dma_semaphore, #tpu.memory_space<semaphore_mem>>)
      } else {
      }
      %add3A_308 = arith.constant 0 : i32
      %add3A_309 = arith.addi %mul3A_287, %add3A_308 : i32
      %add3A_310 = arith.constant 2 : i32
      %add3A_311 = arith.addi %add3A_309, %add3A_310 : i32
      %lt3A_312 = arith.constant 78 : i32
      %lt3A_313 = arith.cmpi slt, %add3A_311, %lt3A_312 : i32
      %convert_element_type3A_314 = arith.extui %lt3A_313 : i1 to i32
      %cond3A_315 = arith.constant 0 : i32
      %cond3A_316 = arith.cmpi ne, %convert_element_type3A_314, %cond3A_315 : i32
      scf.if %cond3A_316 {
        %dma_wait3A_468 = arith.constant 0 : i32
        %dma_wait3A_469 = tpu.memref_slice %arg3[%dma_wait3A_468] : memref<640000xi32, #tpu.memory_space<hbm>> -> memref<128xi32, #tpu.memory_space<hbm>>
        %dma_wait3A_470 = arith.constant 0 : i32
        %dma_wait3A_471 = tpu.memref_slice %arg3[%dma_wait3A_470] : memref<640000xi32, #tpu.memory_space<hbm>> -> memref<128xi32, #tpu.memory_space<hbm>>
        tpu.wait_dma2 semaphore(%arg28 : memref<!tpu.dma_semaphore, #tpu.memory_space<semaphore_mem>>) src(%dma_wait3A_471 : memref<128xi32, #tpu.memory_space<hbm>>) dst(%arg14 : memref<128xi32, #tpu.memory_space<vmem>>)
        %dma_wait3A_472 = arith.constant 0 : i32
        %dma_wait3A_473 = tpu.memref_slice %arg3[%dma_wait3A_472] : memref<640000xi32, #tpu.memory_space<hbm>> -> memref<128xi32, #tpu.memory_space<hbm>>
        %dma_wait3A_474 = arith.constant 0 : i32
        %dma_wait3A_475 = tpu.memref_slice %arg3[%dma_wait3A_474] : memref<640000xi32, #tpu.memory_space<hbm>> -> memref<128xi32, #tpu.memory_space<hbm>>
        tpu.wait_dma2 semaphore(%arg28 : memref<!tpu.dma_semaphore, #tpu.memory_space<semaphore_mem>>) src(%dma_wait3A_475 : memref<128xi32, #tpu.memory_space<hbm>>) dst(%arg20 : memref<128xi32, #tpu.memory_space<vmem>>)
        %dma_start3A_476 = arith.constant 0 : i32
        %dma_start3A_477 = arith.constant 0 : i32
        %dma_start3A_478 = tpu.memref_slice %arg2[%dma_start3A_476, %dma_start3A_477] : memref<10000x128xf32, #tpu.memory_space<hbm>> -> memref<10000x128xf32, #tpu.memory_space<hbm>>
        tpu.enqueue_indirect_dma source(%dma_start3A_478 : memref<10000x128xf32, #tpu.memory_space<hbm>>) target(%arg24 : memref<128x128xf32, #tpu.memory_space<vmem>>) offsets(%arg14 : memref<128xi32, #tpu.memory_space<vmem>>) semaphore(%arg32 : memref<!tpu.dma_semaphore, #tpu.memory_space<semaphore_mem>>)
      } else {
      }
      %dma_wait3A_317 = arith.constant 0 : i32
      %dma_wait3A_318 = arith.constant 0 : i32
      %dma_wait3A_319 = tpu.memref_slice %arg2[%dma_wait3A_317, %dma_wait3A_318] : memref<10000x128xf32, #tpu.memory_space<hbm>> -> memref<10000x128xf32, #tpu.memory_space<hbm>>
      tpu.wait_indirect_dma semaphore(%arg33 : memref<!tpu.dma_semaphore, #tpu.memory_space<semaphore_mem>>) src(%dma_wait3A_319 : memref<10000x128xf32, #tpu.memory_space<hbm>>) dst(%arg25 : memref<128x128xf32, #tpu.memory_space<vmem>>)
      "tpu.region"() ({
        %run_scoped3A = tpu.sem_alloc : memref<!tpu.dma_semaphore, #tpu.memory_space<semaphore_mem>>
        %dma_start3A_468 = arith.constant 0 : i32
        %dma_start3A_469 = arith.constant 0 : i32
        %dma_start3A_470 = tpu.memref_slice %arg6[%dma_start3A_468, %dma_start3A_469] : memref<10240x128xf32, #tpu.memory_space<vmem_shared>> -> memref<10240x128xf32, #tpu.memory_space<vmem_shared>>
        tpu.enqueue_indirect_dma source(%arg25 : memref<128x128xf32, #tpu.memory_space<vmem>>) target(%dma_start3A_470 : memref<10240x128xf32, #tpu.memory_space<vmem_shared>>) offsets(%arg19 : memref<128xi32, #tpu.memory_space<vmem>>) semaphore(%run_scoped3A : memref<!tpu.dma_semaphore, #tpu.memory_space<semaphore_mem>>) {add = true}
        %dma_wait3A_471 = arith.constant 0 : i32
        %dma_wait3A_472 = arith.constant 0 : i32
        %dma_wait3A_473 = tpu.memref_slice %arg6[%dma_wait3A_471, %dma_wait3A_472] : memref<10240x128xf32, #tpu.memory_space<vmem_shared>> -> memref<10240x128xf32, #tpu.memory_space<vmem_shared>>
        tpu.wait_indirect_dma semaphore(%run_scoped3A : memref<!tpu.dma_semaphore, #tpu.memory_space<semaphore_mem>>) src(%arg25 : memref<128x128xf32, #tpu.memory_space<vmem>>) dst(%dma_wait3A_473 : memref<10240x128xf32, #tpu.memory_space<vmem_shared>>)
        tpu.yield
      }) : () -> ()
      %dma_start3A_320 = arith.constant 0 : i32
      %dma_start3A_321 = tpu.memref_slice %arg7[%dma_start3A_320] : memref<10240xf32, #tpu.memory_space<vmem_shared>> -> memref<10240xf32, #tpu.memory_space<vmem_shared>>
      tpu.enqueue_indirect_dma source(%arg8 : memref<128xf32, #tpu.memory_space<vmem>>) target(%dma_start3A_321 : memref<10240xf32, #tpu.memory_space<vmem_shared>>) offsets(%arg19 : memref<128xi32, #tpu.memory_space<vmem>>) semaphore(%arg35 : memref<!tpu.dma_semaphore, #tpu.memory_space<semaphore_mem>>) {add = true}
      %add3A_322 = arith.constant 1 : i32
      %add3A_323 = arith.addi %mul3A_287, %add3A_322 : i32
      %ge3A_324 = arith.constant 2 : i32
      %ge3A_325 = arith.cmpi sge, %add3A_323, %ge3A_324 : i32
      %convert_element_type3A_326 = arith.extui %ge3A_325 : i1 to i32
      %cond3A_327 = arith.constant 0 : i32
      %cond3A_328 = arith.cmpi ne, %convert_element_type3A_326, %cond3A_327 : i32
      scf.if %cond3A_328 {
        %dma_wait3A_468 = arith.constant 0 : i32
        %dma_wait3A_469 = tpu.memref_slice %arg7[%dma_wait3A_468] : memref<10240xf32, #tpu.memory_space<vmem_shared>> -> memref<10240xf32, #tpu.memory_space<vmem_shared>>
        tpu.wait_indirect_dma semaphore(%arg39 : memref<!tpu.dma_semaphore, #tpu.memory_space<semaphore_mem>>) src(%arg8 : memref<128xf32, #tpu.memory_space<vmem>>) dst(%dma_wait3A_469 : memref<10240xf32, #tpu.memory_space<vmem_shared>>)
      } else {
      }
      %add3A_329 = arith.constant 1 : i32
      %add3A_330 = arith.addi %mul3A_287, %add3A_329 : i32
      %add3A_331 = arith.constant 4 : i32
      %add3A_332 = arith.addi %add3A_330, %add3A_331 : i32
      %lt3A_333 = arith.constant 78 : i32
      %lt3A_334 = arith.cmpi slt, %add3A_332, %lt3A_333 : i32
      %convert_element_type3A_335 = arith.extui %lt3A_334 : i1 to i32
      %cond3A_336 = arith.constant 0 : i32
      %cond3A_337 = arith.cmpi ne, %convert_element_type3A_335, %cond3A_336 : i32
      scf.if %cond3A_337 {
        %add3A_468 = arith.constant 1 : i32
        %add3A_469 = arith.addi %mul3A_287, %add3A_468 : i32
        %add3A_470 = arith.constant 4 : i32
        %add3A_471 = arith.addi %add3A_469, %add3A_470 : i32
        %mul3A_472 = arith.constant 32 : i32
        %mul3A_473 = arith.muli %add3A_471, %mul3A_472 : i32
        %add3A_474 = arith.addi %add3A, %mul3A_473 : i32
        %mul3A_475 = arith.constant 128 : i32
        %mul3A_476 = arith.muli %add3A_474, %mul3A_475 : i32
        %multiple_of3A_477 = tpu.assume_multiple %mul3A_476, 128 : i32
        %add3A_478 = arith.constant 320000 : i32
        %add3A_479 = arith.addi %add3A_478, %multiple_of3A_477 : i32
        %dma_start3A_480 = tpu.memref_slice %arg3[%add3A_479] : memref<640000xi32, #tpu.memory_space<hbm>> -> memref<128xi32, #tpu.memory_space<hbm>>
        %dma_start3A_481 = tpu.memref_slice %arg3[%add3A_479] : memref<640000xi32, #tpu.memory_space<hbm>> -> memref<128xi32, #tpu.memory_space<hbm>>
        tpu.enqueue_dma source(%dma_start3A_481 : memref<128xi32, #tpu.memory_space<hbm>>) target(%arg17 : memref<128xi32, #tpu.memory_space<vmem>>) target_semaphore(%arg31 : memref<!tpu.dma_semaphore, #tpu.memory_space<semaphore_mem>>)
        %dma_start3A_482 = tpu.memref_slice %arg3[%multiple_of3A_477] : memref<640000xi32, #tpu.memory_space<hbm>> -> memref<128xi32, #tpu.memory_space<hbm>>
        %dma_start3A_483 = tpu.memref_slice %arg3[%multiple_of3A_477] : memref<640000xi32, #tpu.memory_space<hbm>> -> memref<128xi32, #tpu.memory_space<hbm>>
        tpu.enqueue_dma source(%dma_start3A_483 : memref<128xi32, #tpu.memory_space<hbm>>) target(%arg23 : memref<128xi32, #tpu.memory_space<vmem>>) target_semaphore(%arg31 : memref<!tpu.dma_semaphore, #tpu.memory_space<semaphore_mem>>)
      } else {
      }
      %add3A_338 = arith.constant 1 : i32
      %add3A_339 = arith.addi %mul3A_287, %add3A_338 : i32
      %add3A_340 = arith.constant 2 : i32
      %add3A_341 = arith.addi %add3A_339, %add3A_340 : i32
      %lt3A_342 = arith.constant 78 : i32
      %lt3A_343 = arith.cmpi slt, %add3A_341, %lt3A_342 : i32
      %convert_element_type3A_344 = arith.extui %lt3A_343 : i1 to i32
      %cond3A_345 = arith.constant 0 : i32
      %cond3A_346 = arith.cmpi ne, %convert_element_type3A_344, %cond3A_345 : i32
      scf.if %cond3A_346 {
        %dma_wait3A_468 = arith.constant 0 : i32
        %dma_wait3A_469 = tpu.memref_slice %arg3[%dma_wait3A_468] : memref<640000xi32, #tpu.memory_space<hbm>> -> memref<128xi32, #tpu.memory_space<hbm>>
        %dma_wait3A_470 = arith.constant 0 : i32
        %dma_wait3A_471 = tpu.memref_slice %arg3[%dma_wait3A_470] : memref<640000xi32, #tpu.memory_space<hbm>> -> memref<128xi32, #tpu.memory_space<hbm>>
        tpu.wait_dma2 semaphore(%arg29 : memref<!tpu.dma_semaphore, #tpu.memory_space<semaphore_mem>>) src(%dma_wait3A_471 : memref<128xi32, #tpu.memory_space<hbm>>) dst(%arg15 : memref<128xi32, #tpu.memory_space<vmem>>)
        %dma_wait3A_472 = arith.constant 0 : i32
        %dma_wait3A_473 = tpu.memref_slice %arg3[%dma_wait3A_472] : memref<640000xi32, #tpu.memory_space<hbm>> -> memref<128xi32, #tpu.memory_space<hbm>>
        %dma_wait3A_474 = arith.constant 0 : i32
        %dma_wait3A_475 = tpu.memref_slice %arg3[%dma_wait3A_474] : memref<640000xi32, #tpu.memory_space<hbm>> -> memref<128xi32, #tpu.memory_space<hbm>>
        tpu.wait_dma2 semaphore(%arg29 : memref<!tpu.dma_semaphore, #tpu.memory_space<semaphore_mem>>) src(%dma_wait3A_475 : memref<128xi32, #tpu.memory_space<hbm>>) dst(%arg21 : memref<128xi32, #tpu.memory_space<vmem>>)
        %dma_start3A_476 = arith.constant 0 : i32
        %dma_start3A_477 = arith.constant 0 : i32
        %dma_start3A_478 = tpu.memref_slice %arg2[%dma_start3A_476, %dma_start3A_477] : memref<10000x128xf32, #tpu.memory_space<hbm>> -> memref<10000x128xf32, #tpu.memory_space<hbm>>
        tpu.enqueue_indirect_dma source(%dma_start3A_478 : memref<10000x128xf32, #tpu.memory_space<hbm>>) target(%arg25 : memref<128x128xf32, #tpu.memory_space<vmem>>) offsets(%arg15 : memref<128xi32, #tpu.memory_space<vmem>>) semaphore(%arg33 : memref<!tpu.dma_semaphore, #tpu.memory_space<semaphore_mem>>)
      } else {
      }
      %dma_wait3A_347 = arith.constant 0 : i32
      %dma_wait3A_348 = arith.constant 0 : i32
      %dma_wait3A_349 = tpu.memref_slice %arg2[%dma_wait3A_347, %dma_wait3A_348] : memref<10000x128xf32, #tpu.memory_space<hbm>> -> memref<10000x128xf32, #tpu.memory_space<hbm>>
      tpu.wait_indirect_dma semaphore(%arg32 : memref<!tpu.dma_semaphore, #tpu.memory_space<semaphore_mem>>) src(%dma_wait3A_349 : memref<10000x128xf32, #tpu.memory_space<hbm>>) dst(%arg24 : memref<128x128xf32, #tpu.memory_space<vmem>>)
      "tpu.region"() ({
        %run_scoped3A = tpu.sem_alloc : memref<!tpu.dma_semaphore, #tpu.memory_space<semaphore_mem>>
        %dma_start3A_468 = arith.constant 0 : i32
        %dma_start3A_469 = arith.constant 0 : i32
        %dma_start3A_470 = tpu.memref_slice %arg6[%dma_start3A_468, %dma_start3A_469] : memref<10240x128xf32, #tpu.memory_space<vmem_shared>> -> memref<10240x128xf32, #tpu.memory_space<vmem_shared>>
        tpu.enqueue_indirect_dma source(%arg24 : memref<128x128xf32, #tpu.memory_space<vmem>>) target(%dma_start3A_470 : memref<10240x128xf32, #tpu.memory_space<vmem_shared>>) offsets(%arg20 : memref<128xi32, #tpu.memory_space<vmem>>) semaphore(%run_scoped3A : memref<!tpu.dma_semaphore, #tpu.memory_space<semaphore_mem>>) {add = true}
        %dma_wait3A_471 = arith.constant 0 : i32
        %dma_wait3A_472 = arith.constant 0 : i32
        %dma_wait3A_473 = tpu.memref_slice %arg6[%dma_wait3A_471, %dma_wait3A_472] : memref<10240x128xf32, #tpu.memory_space<vmem_shared>> -> memref<10240x128xf32, #tpu.memory_space<vmem_shared>>
        tpu.wait_indirect_dma semaphore(%run_scoped3A : memref<!tpu.dma_semaphore, #tpu.memory_space<semaphore_mem>>) src(%arg24 : memref<128x128xf32, #tpu.memory_space<vmem>>) dst(%dma_wait3A_473 : memref<10240x128xf32, #tpu.memory_space<vmem_shared>>)
        tpu.yield
      }) : () -> ()
      %dma_start3A_350 = arith.constant 0 : i32
      %dma_start3A_351 = tpu.memref_slice %arg7[%dma_start3A_350] : memref<10240xf32, #tpu.memory_space<vmem_shared>> -> memref<10240xf32, #tpu.memory_space<vmem_shared>>
      tpu.enqueue_indirect_dma source(%arg8 : memref<128xf32, #tpu.memory_space<vmem>>) target(%dma_start3A_351 : memref<10240xf32, #tpu.memory_space<vmem_shared>>) offsets(%arg20 : memref<128xi32, #tpu.memory_space<vmem>>) semaphore(%arg36 : memref<!tpu.dma_semaphore, #tpu.memory_space<semaphore_mem>>) {add = true}
      %add3A_352 = arith.constant 2 : i32
      %add3A_353 = arith.addi %mul3A_287, %add3A_352 : i32
      %ge3A_354 = arith.constant 2 : i32
      %ge3A_355 = arith.cmpi sge, %add3A_353, %ge3A_354 : i32
      %convert_element_type3A_356 = arith.extui %ge3A_355 : i1 to i32
      %cond3A_357 = arith.constant 0 : i32
      %cond3A_358 = arith.cmpi ne, %convert_element_type3A_356, %cond3A_357 : i32
      scf.if %cond3A_358 {
        %dma_wait3A_468 = arith.constant 0 : i32
        %dma_wait3A_469 = tpu.memref_slice %arg7[%dma_wait3A_468] : memref<10240xf32, #tpu.memory_space<vmem_shared>> -> memref<10240xf32, #tpu.memory_space<vmem_shared>>
        tpu.wait_indirect_dma semaphore(%arg34 : memref<!tpu.dma_semaphore, #tpu.memory_space<semaphore_mem>>) src(%arg8 : memref<128xf32, #tpu.memory_space<vmem>>) dst(%dma_wait3A_469 : memref<10240xf32, #tpu.memory_space<vmem_shared>>)
      } else {
      }
      %add3A_359 = arith.constant 2 : i32
      %add3A_360 = arith.addi %mul3A_287, %add3A_359 : i32
      %add3A_361 = arith.constant 4 : i32
      %add3A_362 = arith.addi %add3A_360, %add3A_361 : i32
      %lt3A_363 = arith.constant 78 : i32
      %lt3A_364 = arith.cmpi slt, %add3A_362, %lt3A_363 : i32
      %convert_element_type3A_365 = arith.extui %lt3A_364 : i1 to i32
      %cond3A_366 = arith.constant 0 : i32
      %cond3A_367 = arith.cmpi ne, %convert_element_type3A_365, %cond3A_366 : i32
      scf.if %cond3A_367 {
        %add3A_468 = arith.constant 2 : i32
        %add3A_469 = arith.addi %mul3A_287, %add3A_468 : i32
        %add3A_470 = arith.constant 4 : i32
        %add3A_471 = arith.addi %add3A_469, %add3A_470 : i32
        %mul3A_472 = arith.constant 32 : i32
        %mul3A_473 = arith.muli %add3A_471, %mul3A_472 : i32
        %add3A_474 = arith.addi %add3A, %mul3A_473 : i32
        %mul3A_475 = arith.constant 128 : i32
        %mul3A_476 = arith.muli %add3A_474, %mul3A_475 : i32
        %multiple_of3A_477 = tpu.assume_multiple %mul3A_476, 128 : i32
        %add3A_478 = arith.constant 320000 : i32
        %add3A_479 = arith.addi %add3A_478, %multiple_of3A_477 : i32
        %dma_start3A_480 = tpu.memref_slice %arg3[%add3A_479] : memref<640000xi32, #tpu.memory_space<hbm>> -> memref<128xi32, #tpu.memory_space<hbm>>
        %dma_start3A_481 = tpu.memref_slice %arg3[%add3A_479] : memref<640000xi32, #tpu.memory_space<hbm>> -> memref<128xi32, #tpu.memory_space<hbm>>
        tpu.enqueue_dma source(%dma_start3A_481 : memref<128xi32, #tpu.memory_space<hbm>>) target(%arg12 : memref<128xi32, #tpu.memory_space<vmem>>) target_semaphore(%arg26 : memref<!tpu.dma_semaphore, #tpu.memory_space<semaphore_mem>>)
        %dma_start3A_482 = tpu.memref_slice %arg3[%multiple_of3A_477] : memref<640000xi32, #tpu.memory_space<hbm>> -> memref<128xi32, #tpu.memory_space<hbm>>
        %dma_start3A_483 = tpu.memref_slice %arg3[%multiple_of3A_477] : memref<640000xi32, #tpu.memory_space<hbm>> -> memref<128xi32, #tpu.memory_space<hbm>>
        tpu.enqueue_dma source(%dma_start3A_483 : memref<128xi32, #tpu.memory_space<hbm>>) target(%arg18 : memref<128xi32, #tpu.memory_space<vmem>>) target_semaphore(%arg26 : memref<!tpu.dma_semaphore, #tpu.memory_space<semaphore_mem>>)
      } else {
      }
      %add3A_368 = arith.constant 2 : i32
      %add3A_369 = arith.addi %mul3A_287, %add3A_368 : i32
      %add3A_370 = arith.constant 2 : i32
      %add3A_371 = arith.addi %add3A_369, %add3A_370 : i32
      %lt3A_372 = arith.constant 78 : i32
      %lt3A_373 = arith.cmpi slt, %add3A_371, %lt3A_372 : i32
      %convert_element_type3A_374 = arith.extui %lt3A_373 : i1 to i32
      %cond3A_375 = arith.constant 0 : i32
      %cond3A_376 = arith.cmpi ne, %convert_element_type3A_374, %cond3A_375 : i32
      scf.if %cond3A_376 {
        %dma_wait3A_468 = arith.constant 0 : i32
        %dma_wait3A_469 = tpu.memref_slice %arg3[%dma_wait3A_468] : memref<640000xi32, #tpu.memory_space<hbm>> -> memref<128xi32, #tpu.memory_space<hbm>>
        %dma_wait3A_470 = arith.constant 0 : i32
        %dma_wait3A_471 = tpu.memref_slice %arg3[%dma_wait3A_470] : memref<640000xi32, #tpu.memory_space<hbm>> -> memref<128xi32, #tpu.memory_space<hbm>>
        tpu.wait_dma2 semaphore(%arg30 : memref<!tpu.dma_semaphore, #tpu.memory_space<semaphore_mem>>) src(%dma_wait3A_471 : memref<128xi32, #tpu.memory_space<hbm>>) dst(%arg16 : memref<128xi32, #tpu.memory_space<vmem>>)
        %dma_wait3A_472 = arith.constant 0 : i32
        %dma_wait3A_473 = tpu.memref_slice %arg3[%dma_wait3A_472] : memref<640000xi32, #tpu.memory_space<hbm>> -> memref<128xi32, #tpu.memory_space<hbm>>
        %dma_wait3A_474 = arith.constant 0 : i32
        %dma_wait3A_475 = tpu.memref_slice %arg3[%dma_wait3A_474] : memref<640000xi32, #tpu.memory_space<hbm>> -> memref<128xi32, #tpu.memory_space<hbm>>
        tpu.wait_dma2 semaphore(%arg30 : memref<!tpu.dma_semaphore, #tpu.memory_space<semaphore_mem>>) src(%dma_wait3A_475 : memref<128xi32, #tpu.memory_space<hbm>>) dst(%arg22 : memref<128xi32, #tpu.memory_space<vmem>>)
        %dma_start3A_476 = arith.constant 0 : i32
        %dma_start3A_477 = arith.constant 0 : i32
        %dma_start3A_478 = tpu.memref_slice %arg2[%dma_start3A_476, %dma_start3A_477] : memref<10000x128xf32, #tpu.memory_space<hbm>> -> memref<10000x128xf32, #tpu.memory_space<hbm>>
        tpu.enqueue_indirect_dma source(%dma_start3A_478 : memref<10000x128xf32, #tpu.memory_space<hbm>>) target(%arg24 : memref<128x128xf32, #tpu.memory_space<vmem>>) offsets(%arg16 : memref<128xi32, #tpu.memory_space<vmem>>) semaphore(%arg32 : memref<!tpu.dma_semaphore, #tpu.memory_space<semaphore_mem>>)
      } else {
      }
      %dma_wait3A_377 = arith.constant 0 : i32
      %dma_wait3A_378 = arith.constant 0 : i32
      %dma_wait3A_379 = tpu.memref_slice %arg2[%dma_wait3A_377, %dma_wait3A_378] : memref<10000x128xf32, #tpu.memory_space<hbm>> -> memref<10000x128xf32, #tpu.memory_space<hbm>>
      tpu.wait_indirect_dma semaphore(%arg33 : memref<!tpu.dma_semaphore, #tpu.memory_space<semaphore_mem>>) src(%dma_wait3A_379 : memref<10000x128xf32, #tpu.memory_space<hbm>>) dst(%arg25 : memref<128x128xf32, #tpu.memory_space<vmem>>)
      "tpu.region"() ({
        %run_scoped3A = tpu.sem_alloc : memref<!tpu.dma_semaphore, #tpu.memory_space<semaphore_mem>>
        %dma_start3A_468 = arith.constant 0 : i32
        %dma_start3A_469 = arith.constant 0 : i32
        %dma_start3A_470 = tpu.memref_slice %arg6[%dma_start3A_468, %dma_start3A_469] : memref<10240x128xf32, #tpu.memory_space<vmem_shared>> -> memref<10240x128xf32, #tpu.memory_space<vmem_shared>>
        tpu.enqueue_indirect_dma source(%arg25 : memref<128x128xf32, #tpu.memory_space<vmem>>) target(%dma_start3A_470 : memref<10240x128xf32, #tpu.memory_space<vmem_shared>>) offsets(%arg21 : memref<128xi32, #tpu.memory_space<vmem>>) semaphore(%run_scoped3A : memref<!tpu.dma_semaphore, #tpu.memory_space<semaphore_mem>>) {add = true}
        %dma_wait3A_471 = arith.constant 0 : i32
        %dma_wait3A_472 = arith.constant 0 : i32
        %dma_wait3A_473 = tpu.memref_slice %arg6[%dma_wait3A_471, %dma_wait3A_472] : memref<10240x128xf32, #tpu.memory_space<vmem_shared>> -> memref<10240x128xf32, #tpu.memory_space<vmem_shared>>
        tpu.wait_indirect_dma semaphore(%run_scoped3A : memref<!tpu.dma_semaphore, #tpu.memory_space<semaphore_mem>>) src(%arg25 : memref<128x128xf32, #tpu.memory_space<vmem>>) dst(%dma_wait3A_473 : memref<10240x128xf32, #tpu.memory_space<vmem_shared>>)
        tpu.yield
      }) : () -> ()
      %dma_start3A_380 = arith.constant 0 : i32
      %dma_start3A_381 = tpu.memref_slice %arg7[%dma_start3A_380] : memref<10240xf32, #tpu.memory_space<vmem_shared>> -> memref<10240xf32, #tpu.memory_space<vmem_shared>>
      tpu.enqueue_indirect_dma source(%arg8 : memref<128xf32, #tpu.memory_space<vmem>>) target(%dma_start3A_381 : memref<10240xf32, #tpu.memory_space<vmem_shared>>) offsets(%arg21 : memref<128xi32, #tpu.memory_space<vmem>>) semaphore(%arg37 : memref<!tpu.dma_semaphore, #tpu.memory_space<semaphore_mem>>) {add = true}
      %add3A_382 = arith.constant 3 : i32
      %add3A_383 = arith.addi %mul3A_287, %add3A_382 : i32
      %ge3A_384 = arith.constant 2 : i32
      %ge3A_385 = arith.cmpi sge, %add3A_383, %ge3A_384 : i32
      %convert_element_type3A_386 = arith.extui %ge3A_385 : i1 to i32
      %cond3A_387 = arith.constant 0 : i32
      %cond3A_388 = arith.cmpi ne, %convert_element_type3A_386, %cond3A_387 : i32
      scf.if %cond3A_388 {
        %dma_wait3A_468 = arith.constant 0 : i32
        %dma_wait3A_469 = tpu.memref_slice %arg7[%dma_wait3A_468] : memref<10240xf32, #tpu.memory_space<vmem_shared>> -> memref<10240xf32, #tpu.memory_space<vmem_shared>>
        tpu.wait_indirect_dma semaphore(%arg35 : memref<!tpu.dma_semaphore, #tpu.memory_space<semaphore_mem>>) src(%arg8 : memref<128xf32, #tpu.memory_space<vmem>>) dst(%dma_wait3A_469 : memref<10240xf32, #tpu.memory_space<vmem_shared>>)
      } else {
      }
      %add3A_389 = arith.constant 3 : i32
      %add3A_390 = arith.addi %mul3A_287, %add3A_389 : i32
      %add3A_391 = arith.constant 4 : i32
      %add3A_392 = arith.addi %add3A_390, %add3A_391 : i32
      %lt3A_393 = arith.constant 78 : i32
      %lt3A_394 = arith.cmpi slt, %add3A_392, %lt3A_393 : i32
      %convert_element_type3A_395 = arith.extui %lt3A_394 : i1 to i32
      %cond3A_396 = arith.constant 0 : i32
      %cond3A_397 = arith.cmpi ne, %convert_element_type3A_395, %cond3A_396 : i32
      scf.if %cond3A_397 {
        %add3A_468 = arith.constant 3 : i32
        %add3A_469 = arith.addi %mul3A_287, %add3A_468 : i32
        %add3A_470 = arith.constant 4 : i32
        %add3A_471 = arith.addi %add3A_469, %add3A_470 : i32
        %mul3A_472 = arith.constant 32 : i32
        %mul3A_473 = arith.muli %add3A_471, %mul3A_472 : i32
        %add3A_474 = arith.addi %add3A, %mul3A_473 : i32
        %mul3A_475 = arith.constant 128 : i32
        %mul3A_476 = arith.muli %add3A_474, %mul3A_475 : i32
        %multiple_of3A_477 = tpu.assume_multiple %mul3A_476, 128 : i32
        %add3A_478 = arith.constant 320000 : i32
        %add3A_479 = arith.addi %add3A_478, %multiple_of3A_477 : i32
        %dma_start3A_480 = tpu.memref_slice %arg3[%add3A_479] : memref<640000xi32, #tpu.memory_space<hbm>> -> memref<128xi32, #tpu.memory_space<hbm>>
        %dma_start3A_481 = tpu.memref_slice %arg3[%add3A_479] : memref<640000xi32, #tpu.memory_space<hbm>> -> memref<128xi32, #tpu.memory_space<hbm>>
        tpu.enqueue_dma source(%dma_start3A_481 : memref<128xi32, #tpu.memory_space<hbm>>) target(%arg13 : memref<128xi32, #tpu.memory_space<vmem>>) target_semaphore(%arg27 : memref<!tpu.dma_semaphore, #tpu.memory_space<semaphore_mem>>)
        %dma_start3A_482 = tpu.memref_slice %arg3[%multiple_of3A_477] : memref<640000xi32, #tpu.memory_space<hbm>> -> memref<128xi32, #tpu.memory_space<hbm>>
        %dma_start3A_483 = tpu.memref_slice %arg3[%multiple_of3A_477] : memref<640000xi32, #tpu.memory_space<hbm>> -> memref<128xi32, #tpu.memory_space<hbm>>
        tpu.enqueue_dma source(%dma_start3A_483 : memref<128xi32, #tpu.memory_space<hbm>>) target(%arg19 : memref<128xi32, #tpu.memory_space<vmem>>) target_semaphore(%arg27 : memref<!tpu.dma_semaphore, #tpu.memory_space<semaphore_mem>>)
      } else {
      }
      %add3A_398 = arith.constant 3 : i32
      %add3A_399 = arith.addi %mul3A_287, %add3A_398 : i32
      %add3A_400 = arith.constant 2 : i32
      %add3A_401 = arith.addi %add3A_399, %add3A_400 : i32
      %lt3A_402 = arith.constant 78 : i32
      %lt3A_403 = arith.cmpi slt, %add3A_401, %lt3A_402 : i32
      %convert_element_type3A_404 = arith.extui %lt3A_403 : i1 to i32
      %cond3A_405 = arith.constant 0 : i32
      %cond3A_406 = arith.cmpi ne, %convert_element_type3A_404, %cond3A_405 : i32
      scf.if %cond3A_406 {
        %dma_wait3A_468 = arith.constant 0 : i32
        %dma_wait3A_469 = tpu.memref_slice %arg3[%dma_wait3A_468] : memref<640000xi32, #tpu.memory_space<hbm>> -> memref<128xi32, #tpu.memory_space<hbm>>
        %dma_wait3A_470 = arith.constant 0 : i32
        %dma_wait3A_471 = tpu.memref_slice %arg3[%dma_wait3A_470] : memref<640000xi32, #tpu.memory_space<hbm>> -> memref<128xi32, #tpu.memory_space<hbm>>
        tpu.wait_dma2 semaphore(%arg31 : memref<!tpu.dma_semaphore, #tpu.memory_space<semaphore_mem>>) src(%dma_wait3A_471 : memref<128xi32, #tpu.memory_space<hbm>>) dst(%arg17 : memref<128xi32, #tpu.memory_space<vmem>>)
        %dma_wait3A_472 = arith.constant 0 : i32
        %dma_wait3A_473 = tpu.memref_slice %arg3[%dma_wait3A_472] : memref<640000xi32, #tpu.memory_space<hbm>> -> memref<128xi32, #tpu.memory_space<hbm>>
        %dma_wait3A_474 = arith.constant 0 : i32
        %dma_wait3A_475 = tpu.memref_slice %arg3[%dma_wait3A_474] : memref<640000xi32, #tpu.memory_space<hbm>> -> memref<128xi32, #tpu.memory_space<hbm>>
        tpu.wait_dma2 semaphore(%arg31 : memref<!tpu.dma_semaphore, #tpu.memory_space<semaphore_mem>>) src(%dma_wait3A_475 : memref<128xi32, #tpu.memory_space<hbm>>) dst(%arg23 : memref<128xi32, #tpu.memory_space<vmem>>)
        %dma_start3A_476 = arith.constant 0 : i32
        %dma_start3A_477 = arith.constant 0 : i32
        %dma_start3A_478 = tpu.memref_slice %arg2[%dma_start3A_476, %dma_start3A_477] : memref<10000x128xf32, #tpu.memory_space<hbm>> -> memref<10000x128xf32, #tpu.memory_space<hbm>>
        tpu.enqueue_indirect_dma source(%dma_start3A_478 : memref<10000x128xf32, #tpu.memory_space<hbm>>) target(%arg25 : memref<128x128xf32, #tpu.memory_space<vmem>>) offsets(%arg17 : memref<128xi32, #tpu.memory_space<vmem>>) semaphore(%arg33 : memref<!tpu.dma_semaphore, #tpu.memory_space<semaphore_mem>>)
      } else {
      }
      %dma_wait3A_407 = arith.constant 0 : i32
      %dma_wait3A_408 = arith.constant 0 : i32
      %dma_wait3A_409 = tpu.memref_slice %arg2[%dma_wait3A_407, %dma_wait3A_408] : memref<10000x128xf32, #tpu.memory_space<hbm>> -> memref<10000x128xf32, #tpu.memory_space<hbm>>
      tpu.wait_indirect_dma semaphore(%arg32 : memref<!tpu.dma_semaphore, #tpu.memory_space<semaphore_mem>>) src(%dma_wait3A_409 : memref<10000x128xf32, #tpu.memory_space<hbm>>) dst(%arg24 : memref<128x128xf32, #tpu.memory_space<vmem>>)
      "tpu.region"() ({
        %run_scoped3A = tpu.sem_alloc : memref<!tpu.dma_semaphore, #tpu.memory_space<semaphore_mem>>
        %dma_start3A_468 = arith.constant 0 : i32
        %dma_start3A_469 = arith.constant 0 : i32
        %dma_start3A_470 = tpu.memref_slice %arg6[%dma_start3A_468, %dma_start3A_469] : memref<10240x128xf32, #tpu.memory_space<vmem_shared>> -> memref<10240x128xf32, #tpu.memory_space<vmem_shared>>
        tpu.enqueue_indirect_dma source(%arg24 : memref<128x128xf32, #tpu.memory_space<vmem>>) target(%dma_start3A_470 : memref<10240x128xf32, #tpu.memory_space<vmem_shared>>) offsets(%arg22 : memref<128xi32, #tpu.memory_space<vmem>>) semaphore(%run_scoped3A : memref<!tpu.dma_semaphore, #tpu.memory_space<semaphore_mem>>) {add = true}
        %dma_wait3A_471 = arith.constant 0 : i32
        %dma_wait3A_472 = arith.constant 0 : i32
        %dma_wait3A_473 = tpu.memref_slice %arg6[%dma_wait3A_471, %dma_wait3A_472] : memref<10240x128xf32, #tpu.memory_space<vmem_shared>> -> memref<10240x128xf32, #tpu.memory_space<vmem_shared>>
        tpu.wait_indirect_dma semaphore(%run_scoped3A : memref<!tpu.dma_semaphore, #tpu.memory_space<semaphore_mem>>) src(%arg24 : memref<128x128xf32, #tpu.memory_space<vmem>>) dst(%dma_wait3A_473 : memref<10240x128xf32, #tpu.memory_space<vmem_shared>>)
        tpu.yield
      }) : () -> ()
      %dma_start3A_410 = arith.constant 0 : i32
      %dma_start3A_411 = tpu.memref_slice %arg7[%dma_start3A_410] : memref<10240xf32, #tpu.memory_space<vmem_shared>> -> memref<10240xf32, #tpu.memory_space<vmem_shared>>
      tpu.enqueue_indirect_dma source(%arg8 : memref<128xf32, #tpu.memory_space<vmem>>) target(%dma_start3A_411 : memref<10240xf32, #tpu.memory_space<vmem_shared>>) offsets(%arg22 : memref<128xi32, #tpu.memory_space<vmem>>) semaphore(%arg38 : memref<!tpu.dma_semaphore, #tpu.memory_space<semaphore_mem>>) {add = true}
      %add3A_412 = arith.constant 4 : i32
      %add3A_413 = arith.addi %mul3A_287, %add3A_412 : i32
      %ge3A_414 = arith.constant 2 : i32
      %ge3A_415 = arith.cmpi sge, %add3A_413, %ge3A_414 : i32
      %convert_element_type3A_416 = arith.extui %ge3A_415 : i1 to i32
      %cond3A_417 = arith.constant 0 : i32
      %cond3A_418 = arith.cmpi ne, %convert_element_type3A_416, %cond3A_417 : i32
      scf.if %cond3A_418 {
        %dma_wait3A_468 = arith.constant 0 : i32
        %dma_wait3A_469 = tpu.memref_slice %arg7[%dma_wait3A_468] : memref<10240xf32, #tpu.memory_space<vmem_shared>> -> memref<10240xf32, #tpu.memory_space<vmem_shared>>
        tpu.wait_indirect_dma semaphore(%arg36 : memref<!tpu.dma_semaphore, #tpu.memory_space<semaphore_mem>>) src(%arg8 : memref<128xf32, #tpu.memory_space<vmem>>) dst(%dma_wait3A_469 : memref<10240xf32, #tpu.memory_space<vmem_shared>>)
      } else {
      }
      %add3A_419 = arith.constant 4 : i32
      %add3A_420 = arith.addi %mul3A_287, %add3A_419 : i32
      %add3A_421 = arith.constant 4 : i32
      %add3A_422 = arith.addi %add3A_420, %add3A_421 : i32
      %lt3A_423 = arith.constant 78 : i32
      %lt3A_424 = arith.cmpi slt, %add3A_422, %lt3A_423 : i32
      %convert_element_type3A_425 = arith.extui %lt3A_424 : i1 to i32
      %cond3A_426 = arith.constant 0 : i32
      %cond3A_427 = arith.cmpi ne, %convert_element_type3A_425, %cond3A_426 : i32
      scf.if %cond3A_427 {
        %add3A_468 = arith.constant 4 : i32
        %add3A_469 = arith.addi %mul3A_287, %add3A_468 : i32
        %add3A_470 = arith.constant 4 : i32
        %add3A_471 = arith.addi %add3A_469, %add3A_470 : i32
        %mul3A_472 = arith.constant 32 : i32
        %mul3A_473 = arith.muli %add3A_471, %mul3A_472 : i32
        %add3A_474 = arith.addi %add3A, %mul3A_473 : i32
        %mul3A_475 = arith.constant 128 : i32
        %mul3A_476 = arith.muli %add3A_474, %mul3A_475 : i32
        %multiple_of3A_477 = tpu.assume_multiple %mul3A_476, 128 : i32
        %add3A_478 = arith.constant 320000 : i32
        %add3A_479 = arith.addi %add3A_478, %multiple_of3A_477 : i32
        %dma_start3A_480 = tpu.memref_slice %arg3[%add3A_479] : memref<640000xi32, #tpu.memory_space<hbm>> -> memref<128xi32, #tpu.memory_space<hbm>>
        %dma_start3A_481 = tpu.memref_slice %arg3[%add3A_479] : memref<640000xi32, #tpu.memory_space<hbm>> -> memref<128xi32, #tpu.memory_space<hbm>>
        tpu.enqueue_dma source(%dma_start3A_481 : memref<128xi32, #tpu.memory_space<hbm>>) target(%arg14 : memref<128xi32, #tpu.memory_space<vmem>>) target_semaphore(%arg28 : memref<!tpu.dma_semaphore, #tpu.memory_space<semaphore_mem>>)
        %dma_start3A_482 = tpu.memref_slice %arg3[%multiple_of3A_477] : memref<640000xi32, #tpu.memory_space<hbm>> -> memref<128xi32, #tpu.memory_space<hbm>>
        %dma_start3A_483 = tpu.memref_slice %arg3[%multiple_of3A_477] : memref<640000xi32, #tpu.memory_space<hbm>> -> memref<128xi32, #tpu.memory_space<hbm>>
        tpu.enqueue_dma source(%dma_start3A_483 : memref<128xi32, #tpu.memory_space<hbm>>) target(%arg20 : memref<128xi32, #tpu.memory_space<vmem>>) target_semaphore(%arg28 : memref<!tpu.dma_semaphore, #tpu.memory_space<semaphore_mem>>)
      } else {
      }
      %add3A_428 = arith.constant 4 : i32
      %add3A_429 = arith.addi %mul3A_287, %add3A_428 : i32
      %add3A_430 = arith.constant 2 : i32
      %add3A_431 = arith.addi %add3A_429, %add3A_430 : i32
      %lt3A_432 = arith.constant 78 : i32
      %lt3A_433 = arith.cmpi slt, %add3A_431, %lt3A_432 : i32
      %convert_element_type3A_434 = arith.extui %lt3A_433 : i1 to i32
      %cond3A_435 = arith.constant 0 : i32
      %cond3A_436 = arith.cmpi ne, %convert_element_type3A_434, %cond3A_435 : i32
      scf.if %cond3A_436 {
        %dma_wait3A_468 = arith.constant 0 : i32
        %dma_wait3A_469 = tpu.memref_slice %arg3[%dma_wait3A_468] : memref<640000xi32, #tpu.memory_space<hbm>> -> memref<128xi32, #tpu.memory_space<hbm>>
        %dma_wait3A_470 = arith.constant 0 : i32
        %dma_wait3A_471 = tpu.memref_slice %arg3[%dma_wait3A_470] : memref<640000xi32, #tpu.memory_space<hbm>> -> memref<128xi32, #tpu.memory_space<hbm>>
        tpu.wait_dma2 semaphore(%arg26 : memref<!tpu.dma_semaphore, #tpu.memory_space<semaphore_mem>>) src(%dma_wait3A_471 : memref<128xi32, #tpu.memory_space<hbm>>) dst(%arg12 : memref<128xi32, #tpu.memory_space<vmem>>)
        %dma_wait3A_472 = arith.constant 0 : i32
        %dma_wait3A_473 = tpu.memref_slice %arg3[%dma_wait3A_472] : memref<640000xi32, #tpu.memory_space<hbm>> -> memref<128xi32, #tpu.memory_space<hbm>>
        %dma_wait3A_474 = arith.constant 0 : i32
        %dma_wait3A_475 = tpu.memref_slice %arg3[%dma_wait3A_474] : memref<640000xi32, #tpu.memory_space<hbm>> -> memref<128xi32, #tpu.memory_space<hbm>>
        tpu.wait_dma2 semaphore(%arg26 : memref<!tpu.dma_semaphore, #tpu.memory_space<semaphore_mem>>) src(%dma_wait3A_475 : memref<128xi32, #tpu.memory_space<hbm>>) dst(%arg18 : memref<128xi32, #tpu.memory_space<vmem>>)
        %dma_start3A_476 = arith.constant 0 : i32
        %dma_start3A_477 = arith.constant 0 : i32
        %dma_start3A_478 = tpu.memref_slice %arg2[%dma_start3A_476, %dma_start3A_477] : memref<10000x128xf32, #tpu.memory_space<hbm>> -> memref<10000x128xf32, #tpu.memory_space<hbm>>
        tpu.enqueue_indirect_dma source(%dma_start3A_478 : memref<10000x128xf32, #tpu.memory_space<hbm>>) target(%arg24 : memref<128x128xf32, #tpu.memory_space<vmem>>) offsets(%arg12 : memref<128xi32, #tpu.memory_space<vmem>>) semaphore(%arg32 : memref<!tpu.dma_semaphore, #tpu.memory_space<semaphore_mem>>)
      } else {
      }
      %dma_wait3A_437 = arith.constant 0 : i32
      %dma_wait3A_438 = arith.constant 0 : i32
      %dma_wait3A_439 = tpu.memref_slice %arg2[%dma_wait3A_437, %dma_wait3A_438] : memref<10000x128xf32, #tpu.memory_space<hbm>> -> memref<10000x128xf32, #tpu.memory_space<hbm>>
      tpu.wait_indirect_dma semaphore(%arg33 : memref<!tpu.dma_semaphore, #tpu.memory_space<semaphore_mem>>) src(%dma_wait3A_439 : memref<10000x128xf32, #tpu.memory_space<hbm>>) dst(%arg25 : memref<128x128xf32, #tpu.memory_space<vmem>>)
      "tpu.region"() ({
        %run_scoped3A = tpu.sem_alloc : memref<!tpu.dma_semaphore, #tpu.memory_space<semaphore_mem>>
        %dma_start3A_468 = arith.constant 0 : i32
        %dma_start3A_469 = arith.constant 0 : i32
        %dma_start3A_470 = tpu.memref_slice %arg6[%dma_start3A_468, %dma_start3A_469] : memref<10240x128xf32, #tpu.memory_space<vmem_shared>> -> memref<10240x128xf32, #tpu.memory_space<vmem_shared>>
        tpu.enqueue_indirect_dma source(%arg25 : memref<128x128xf32, #tpu.memory_space<vmem>>) target(%dma_start3A_470 : memref<10240x128xf32, #tpu.memory_space<vmem_shared>>) offsets(%arg23 : memref<128xi32, #tpu.memory_space<vmem>>) semaphore(%run_scoped3A : memref<!tpu.dma_semaphore, #tpu.memory_space<semaphore_mem>>) {add = true}
        %dma_wait3A_471 = arith.constant 0 : i32
        %dma_wait3A_472 = arith.constant 0 : i32
        %dma_wait3A_473 = tpu.memref_slice %arg6[%dma_wait3A_471, %dma_wait3A_472] : memref<10240x128xf32, #tpu.memory_space<vmem_shared>> -> memref<10240x128xf32, #tpu.memory_space<vmem_shared>>
        tpu.wait_indirect_dma semaphore(%run_scoped3A : memref<!tpu.dma_semaphore, #tpu.memory_space<semaphore_mem>>) src(%arg25 : memref<128x128xf32, #tpu.memory_space<vmem>>) dst(%dma_wait3A_473 : memref<10240x128xf32, #tpu.memory_space<vmem_shared>>)
        tpu.yield
      }) : () -> ()
      %dma_start3A_440 = arith.constant 0 : i32
      %dma_start3A_441 = tpu.memref_slice %arg7[%dma_start3A_440] : memref<10240xf32, #tpu.memory_space<vmem_shared>> -> memref<10240xf32, #tpu.memory_space<vmem_shared>>
      tpu.enqueue_indirect_dma source(%arg8 : memref<128xf32, #tpu.memory_space<vmem>>) target(%dma_start3A_441 : memref<10240xf32, #tpu.memory_space<vmem_shared>>) offsets(%arg23 : memref<128xi32, #tpu.memory_space<vmem>>) semaphore(%arg39 : memref<!tpu.dma_semaphore, #tpu.memory_space<semaphore_mem>>) {add = true}
      %add3A_442 = arith.constant 5 : i32
      %add3A_443 = arith.addi %mul3A_287, %add3A_442 : i32
      %ge3A_444 = arith.constant 2 : i32
      %ge3A_445 = arith.cmpi sge, %add3A_443, %ge3A_444 : i32
      %convert_element_type3A_446 = arith.extui %ge3A_445 : i1 to i32
      %cond3A_447 = arith.constant 0 : i32
      %cond3A_448 = arith.cmpi ne, %convert_element_type3A_446, %cond3A_447 : i32
      scf.if %cond3A_448 {
        %dma_wait3A_468 = arith.constant 0 : i32
        %dma_wait3A_469 = tpu.memref_slice %arg7[%dma_wait3A_468] : memref<10240xf32, #tpu.memory_space<vmem_shared>> -> memref<10240xf32, #tpu.memory_space<vmem_shared>>
        tpu.wait_indirect_dma semaphore(%arg37 : memref<!tpu.dma_semaphore, #tpu.memory_space<semaphore_mem>>) src(%arg8 : memref<128xf32, #tpu.memory_space<vmem>>) dst(%dma_wait3A_469 : memref<10240xf32, #tpu.memory_space<vmem_shared>>)
      } else {
      }
      %add3A_449 = arith.constant 5 : i32
      %add3A_450 = arith.addi %mul3A_287, %add3A_449 : i32
      %add3A_451 = arith.constant 4 : i32
      %add3A_452 = arith.addi %add3A_450, %add3A_451 : i32
      %lt3A_453 = arith.constant 78 : i32
      %lt3A_454 = arith.cmpi slt, %add3A_452, %lt3A_453 : i32
      %convert_element_type3A_455 = arith.extui %lt3A_454 : i1 to i32
      %cond3A_456 = arith.constant 0 : i32
      %cond3A_457 = arith.cmpi ne, %convert_element_type3A_455, %cond3A_456 : i32
      scf.if %cond3A_457 {
        %add3A_468 = arith.constant 5 : i32
        %add3A_469 = arith.addi %mul3A_287, %add3A_468 : i32
        %add3A_470 = arith.constant 4 : i32
        %add3A_471 = arith.addi %add3A_469, %add3A_470 : i32
        %mul3A_472 = arith.constant 32 : i32
        %mul3A_473 = arith.muli %add3A_471, %mul3A_472 : i32
        %add3A_474 = arith.addi %add3A, %mul3A_473 : i32
        %mul3A_475 = arith.constant 128 : i32
        %mul3A_476 = arith.muli %add3A_474, %mul3A_475 : i32
        %multiple_of3A_477 = tpu.assume_multiple %mul3A_476, 128 : i32
        %add3A_478 = arith.constant 320000 : i32
        %add3A_479 = arith.addi %add3A_478, %multiple_of3A_477 : i32
        %dma_start3A_480 = tpu.memref_slice %arg3[%add3A_479] : memref<640000xi32, #tpu.memory_space<hbm>> -> memref<128xi32, #tpu.memory_space<hbm>>
        %dma_start3A_481 = tpu.memref_slice %arg3[%add3A_479] : memref<640000xi32, #tpu.memory_space<hbm>> -> memref<128xi32, #tpu.memory_space<hbm>>
        tpu.enqueue_dma source(%dma_start3A_481 : memref<128xi32, #tpu.memory_space<hbm>>) target(%arg15 : memref<128xi32, #tpu.memory_space<vmem>>) target_semaphore(%arg29 : memref<!tpu.dma_semaphore, #tpu.memory_space<semaphore_mem>>)
        %dma_start3A_482 = tpu.memref_slice %arg3[%multiple_of3A_477] : memref<640000xi32, #tpu.memory_space<hbm>> -> memref<128xi32, #tpu.memory_space<hbm>>
        %dma_start3A_483 = tpu.memref_slice %arg3[%multiple_of3A_477] : memref<640000xi32, #tpu.memory_space<hbm>> -> memref<128xi32, #tpu.memory_space<hbm>>
        tpu.enqueue_dma source(%dma_start3A_483 : memref<128xi32, #tpu.memory_space<hbm>>) target(%arg21 : memref<128xi32, #tpu.memory_space<vmem>>) target_semaphore(%arg29 : memref<!tpu.dma_semaphore, #tpu.memory_space<semaphore_mem>>)
      } else {
      }
      %add3A_458 = arith.constant 5 : i32
      %add3A_459 = arith.addi %mul3A_287, %add3A_458 : i32
      %add3A_460 = arith.constant 2 : i32
      %add3A_461 = arith.addi %add3A_459, %add3A_460 : i32
      %lt3A_462 = arith.constant 78 : i32
      %lt3A_463 = arith.cmpi slt, %add3A_461, %lt3A_462 : i32
      %convert_element_type3A_464 = arith.extui %lt3A_463 : i1 to i32
      %cond3A_465 = arith.constant 0 : i32
      %cond3A_466 = arith.cmpi ne, %convert_element_type3A_464, %cond3A_465 : i32
      scf.if %cond3A_466 {
        %dma_wait3A_468 = arith.constant 0 : i32
        %dma_wait3A_469 = tpu.memref_slice %arg3[%dma_wait3A_468] : memref<640000xi32, #tpu.memory_space<hbm>> -> memref<128xi32, #tpu.memory_space<hbm>>
        %dma_wait3A_470 = arith.constant 0 : i32
        %dma_wait3A_471 = tpu.memref_slice %arg3[%dma_wait3A_470] : memref<640000xi32, #tpu.memory_space<hbm>> -> memref<128xi32, #tpu.memory_space<hbm>>
        tpu.wait_dma2 semaphore(%arg27 : memref<!tpu.dma_semaphore, #tpu.memory_space<semaphore_mem>>) src(%dma_wait3A_471 : memref<128xi32, #tpu.memory_space<hbm>>) dst(%arg13 : memref<128xi32, #tpu.memory_space<vmem>>)
        %dma_wait3A_472 = arith.constant 0 : i32
        %dma_wait3A_473 = tpu.memref_slice %arg3[%dma_wait3A_472] : memref<640000xi32, #tpu.memory_space<hbm>> -> memref<128xi32, #tpu.memory_space<hbm>>
        %dma_wait3A_474 = arith.constant 0 : i32
        %dma_wait3A_475 = tpu.memref_slice %arg3[%dma_wait3A_474] : memref<640000xi32, #tpu.memory_space<hbm>> -> memref<128xi32, #tpu.memory_space<hbm>>
        tpu.wait_dma2 semaphore(%arg27 : memref<!tpu.dma_semaphore, #tpu.memory_space<semaphore_mem>>) src(%dma_wait3A_475 : memref<128xi32, #tpu.memory_space<hbm>>) dst(%arg19 : memref<128xi32, #tpu.memory_space<vmem>>)
        %dma_start3A_476 = arith.constant 0 : i32
        %dma_start3A_477 = arith.constant 0 : i32
        %dma_start3A_478 = tpu.memref_slice %arg2[%dma_start3A_476, %dma_start3A_477] : memref<10000x128xf32, #tpu.memory_space<hbm>> -> memref<10000x128xf32, #tpu.memory_space<hbm>>
        tpu.enqueue_indirect_dma source(%dma_start3A_478 : memref<10000x128xf32, #tpu.memory_space<hbm>>) target(%arg25 : memref<128x128xf32, #tpu.memory_space<vmem>>) offsets(%arg13 : memref<128xi32, #tpu.memory_space<vmem>>) semaphore(%arg33 : memref<!tpu.dma_semaphore, #tpu.memory_space<semaphore_mem>>)
      } else {
      }
      %scan3A_467 = arith.constant 0 : i32
      scf.yield %scan3A_467 : i32
    }
    %scan3A_257 = arith.constant 13 : i32
    %dma_wait3A_258 = arith.constant 0 : i32
    %dma_wait3A_259 = tpu.memref_slice %arg7[%dma_wait3A_258] : memref<10240xf32, #tpu.memory_space<vmem_shared>> -> memref<10240xf32, #tpu.memory_space<vmem_shared>>
    tpu.wait_indirect_dma semaphore(%arg38 : memref<!tpu.dma_semaphore, #tpu.memory_space<semaphore_mem>>) src(%arg8 : memref<128xf32, #tpu.memory_space<vmem>>) dst(%dma_wait3A_259 : memref<10240xf32, #tpu.memory_space<vmem_shared>>)
    %dma_wait3A_260 = arith.constant 0 : i32
    %dma_wait3A_261 = tpu.memref_slice %arg7[%dma_wait3A_260] : memref<10240xf32, #tpu.memory_space<vmem_shared>> -> memref<10240xf32, #tpu.memory_space<vmem_shared>>
    tpu.wait_indirect_dma semaphore(%arg39 : memref<!tpu.dma_semaphore, #tpu.memory_space<semaphore_mem>>) src(%arg8 : memref<128xf32, #tpu.memory_space<vmem>>) dst(%dma_wait3A_261 : memref<10240xf32, #tpu.memory_space<vmem_shared>>)
    %lt3A = arith.constant 2 : i32
    %lt3A_262 = arith.cmpi slt, %arg1, %lt3A : i32
    %convert_element_type3A = arith.extui %lt3A_262 : i1 to i32
    %cond3A = arith.constant 0 : i32
    %cond3A_263 = arith.cmpi ne, %convert_element_type3A, %cond3A : i32
    scf.if %cond3A_263 {
      %mul3A_284 = arith.constant 2 : i32
      %mul3A_285 = arith.muli %arg1, %mul3A_284 : i32
      %add3A_286 = arith.constant 2496 : i32
      %add3A_287 = arith.addi %add3A_286, %mul3A_285 : i32
      %add3A_288 = arith.addi %add3A_287, %arg0 : i32
      %mul3A_289 = arith.constant 128 : i32
      %mul3A_290 = arith.muli %add3A_288, %mul3A_289 : i32
      %multiple_of3A_291 = tpu.assume_multiple %mul3A_290, 128 : i32
      %add3A_292 = arith.constant 320000 : i32
      %add3A_293 = arith.addi %add3A_292, %multiple_of3A_291 : i32
      "tpu.region"() ({
        %run_scoped3A = tpu.sem_alloc : memref<!tpu.dma_semaphore, #tpu.memory_space<semaphore_mem>>
        %dma_start3A_300 = tpu.memref_slice %arg3[%add3A_293] : memref<640000xi32, #tpu.memory_space<hbm>> -> memref<128xi32, #tpu.memory_space<hbm>>
        %dma_start3A_301 = tpu.memref_slice %arg3[%add3A_293] : memref<640000xi32, #tpu.memory_space<hbm>> -> memref<128xi32, #tpu.memory_space<hbm>>
        tpu.enqueue_dma source(%dma_start3A_301 : memref<128xi32, #tpu.memory_space<hbm>>) target(%arg12 : memref<128xi32, #tpu.memory_space<vmem>>) target_semaphore(%run_scoped3A : memref<!tpu.dma_semaphore, #tpu.memory_space<semaphore_mem>>)
        %dma_wait3A_302 = tpu.memref_slice %arg3[%add3A_293] : memref<640000xi32, #tpu.memory_space<hbm>> -> memref<128xi32, #tpu.memory_space<hbm>>
        %dma_wait3A_303 = tpu.memref_slice %arg3[%add3A_293] : memref<640000xi32, #tpu.memory_space<hbm>> -> memref<128xi32, #tpu.memory_space<hbm>>
        tpu.wait_dma2 semaphore(%run_scoped3A : memref<!tpu.dma_semaphore, #tpu.memory_space<semaphore_mem>>) src(%dma_wait3A_303 : memref<128xi32, #tpu.memory_space<hbm>>) dst(%arg12 : memref<128xi32, #tpu.memory_space<vmem>>)
        tpu.yield
      }) : () -> ()
      "tpu.region"() ({
        %run_scoped3A = tpu.sem_alloc : memref<!tpu.dma_semaphore, #tpu.memory_space<semaphore_mem>>
        %dma_start3A_300 = tpu.memref_slice %arg3[%multiple_of3A_291] : memref<640000xi32, #tpu.memory_space<hbm>> -> memref<128xi32, #tpu.memory_space<hbm>>
        %dma_start3A_301 = tpu.memref_slice %arg3[%multiple_of3A_291] : memref<640000xi32, #tpu.memory_space<hbm>> -> memref<128xi32, #tpu.memory_space<hbm>>
        tpu.enqueue_dma source(%dma_start3A_301 : memref<128xi32, #tpu.memory_space<hbm>>) target(%arg18 : memref<128xi32, #tpu.memory_space<vmem>>) target_semaphore(%run_scoped3A : memref<!tpu.dma_semaphore, #tpu.memory_space<semaphore_mem>>)
        %dma_wait3A_302 = tpu.memref_slice %arg3[%multiple_of3A_291] : memref<640000xi32, #tpu.memory_space<hbm>> -> memref<128xi32, #tpu.memory_space<hbm>>
        %dma_wait3A_303 = tpu.memref_slice %arg3[%multiple_of3A_291] : memref<640000xi32, #tpu.memory_space<hbm>> -> memref<128xi32, #tpu.memory_space<hbm>>
        tpu.wait_dma2 semaphore(%run_scoped3A : memref<!tpu.dma_semaphore, #tpu.memory_space<semaphore_mem>>) src(%dma_wait3A_303 : memref<128xi32, #tpu.memory_space<hbm>>) dst(%arg18 : memref<128xi32, #tpu.memory_space<vmem>>)
        tpu.yield
      }) : () -> ()
      %dma_start3A_294 = arith.constant 0 : i32
      %dma_start3A_295 = arith.constant 0 : i32
      %dma_start3A_296 = tpu.memref_slice %arg2[%dma_start3A_294, %dma_start3A_295] : memref<10000x128xf32, #tpu.memory_space<hbm>> -> memref<10000x128xf32, #tpu.memory_space<hbm>>
      tpu.enqueue_indirect_dma source(%dma_start3A_296 : memref<10000x128xf32, #tpu.memory_space<hbm>>) target(%arg24 : memref<128x128xf32, #tpu.memory_space<vmem>>) offsets(%arg12 : memref<128xi32, #tpu.memory_space<vmem>>) semaphore(%arg32 : memref<!tpu.dma_semaphore, #tpu.memory_space<semaphore_mem>>)
      %dma_wait3A_297 = arith.constant 0 : i32
      %dma_wait3A_298 = arith.constant 0 : i32
      %dma_wait3A_299 = tpu.memref_slice %arg2[%dma_wait3A_297, %dma_wait3A_298] : memref<10000x128xf32, #tpu.memory_space<hbm>> -> memref<10000x128xf32, #tpu.memory_space<hbm>>
      tpu.wait_indirect_dma semaphore(%arg32 : memref<!tpu.dma_semaphore, #tpu.memory_space<semaphore_mem>>) src(%dma_wait3A_299 : memref<10000x128xf32, #tpu.memory_space<hbm>>) dst(%arg24 : memref<128x128xf32, #tpu.memory_space<vmem>>)
      "tpu.region"() ({
        %run_scoped3A = tpu.sem_alloc : memref<!tpu.dma_semaphore, #tpu.memory_space<semaphore_mem>>
        %dma_start3A_300 = arith.constant 0 : i32
        %dma_start3A_301 = arith.constant 0 : i32
        %dma_start3A_302 = tpu.memref_slice %arg6[%dma_start3A_300, %dma_start3A_301] : memref<10240x128xf32, #tpu.memory_space<vmem_shared>> -> memref<10240x128xf32, #tpu.memory_space<vmem_shared>>
        tpu.enqueue_indirect_dma source(%arg24 : memref<128x128xf32, #tpu.memory_space<vmem>>) target(%dma_start3A_302 : memref<10240x128xf32, #tpu.memory_space<vmem_shared>>) offsets(%arg18 : memref<128xi32, #tpu.memory_space<vmem>>) semaphore(%run_scoped3A : memref<!tpu.dma_semaphore, #tpu.memory_space<semaphore_mem>>) {add = true}
        %dma_wait3A_303 = arith.constant 0 : i32
        %dma_wait3A_304 = arith.constant 0 : i32
        %dma_wait3A_305 = tpu.memref_slice %arg6[%dma_wait3A_303, %dma_wait3A_304] : memref<10240x128xf32, #tpu.memory_space<vmem_shared>> -> memref<10240x128xf32, #tpu.memory_space<vmem_shared>>
        tpu.wait_indirect_dma semaphore(%run_scoped3A : memref<!tpu.dma_semaphore, #tpu.memory_space<semaphore_mem>>) src(%arg24 : memref<128x128xf32, #tpu.memory_space<vmem>>) dst(%dma_wait3A_305 : memref<10240x128xf32, #tpu.memory_space<vmem_shared>>)
        tpu.yield
      }) : () -> ()
      "tpu.region"() ({
        %run_scoped3A = tpu.sem_alloc : memref<!tpu.dma_semaphore, #tpu.memory_space<semaphore_mem>>
        %dma_start3A_300 = arith.constant 0 : i32
        %dma_start3A_301 = tpu.memref_slice %arg7[%dma_start3A_300] : memref<10240xf32, #tpu.memory_space<vmem_shared>> -> memref<10240xf32, #tpu.memory_space<vmem_shared>>
        tpu.enqueue_indirect_dma source(%arg8 : memref<128xf32, #tpu.memory_space<vmem>>) target(%dma_start3A_301 : memref<10240xf32, #tpu.memory_space<vmem_shared>>) offsets(%arg18 : memref<128xi32, #tpu.memory_space<vmem>>) semaphore(%run_scoped3A : memref<!tpu.dma_semaphore, #tpu.memory_space<semaphore_mem>>) {add = true}
        %dma_wait3A_302 = arith.constant 0 : i32
        %dma_wait3A_303 = tpu.memref_slice %arg7[%dma_wait3A_302] : memref<10240xf32, #tpu.memory_space<vmem_shared>> -> memref<10240xf32, #tpu.memory_space<vmem_shared>>
        tpu.wait_indirect_dma semaphore(%run_scoped3A : memref<!tpu.dma_semaphore, #tpu.memory_space<semaphore_mem>>) src(%arg8 : memref<128xf32, #tpu.memory_space<vmem>>) dst(%dma_wait3A_303 : memref<10240xf32, #tpu.memory_space<vmem_shared>>)
        tpu.yield
      }) : () -> ()
    } else {
    }
    %barrier3A_264 = arith.constant 0 : index
    tpu.barrier barrier_id(%barrier3A_264)
    %mul3A_265 = arith.constant 640 : i32
    %mul3A_266 = arith.muli %arg1, %mul3A_265 : i32
    %mul3A_267 = arith.constant 640 : i32
    %mul3A_268 = arith.muli %arg1, %mul3A_267 : i32
    %dma_start3A_269 = arith.constant 0 : i32
    %dma_start3A_270 = tpu.memref_slice %arg4[%arg0, %mul3A_268, %dma_start3A_269] : memref<2x10240x128xf32, #tpu.memory_space<hbm>> -> memref<1x640x128xf32, #tpu.memory_space<hbm>>
    %dma_start3A_271 = tpu.memref_squeeze %dma_start3A_270 : memref<1x640x128xf32, #tpu.memory_space<hbm>> -> memref<640x128xf32, #tpu.memory_space<hbm>>
    %dma_start3A_272 = arith.constant 0 : i32
    %dma_start3A_273 = tpu.memref_slice %arg6[%mul3A_266, %dma_start3A_272] : memref<10240x128xf32, #tpu.memory_space<vmem_shared>> -> memref<640x128xf32, #tpu.memory_space<vmem_shared>>
    tpu.enqueue_dma source(%dma_start3A_273 : memref<640x128xf32, #tpu.memory_space<vmem_shared>>) target(%dma_start3A_271 : memref<640x128xf32, #tpu.memory_space<hbm>>) target_semaphore(%arg40 : memref<!tpu.dma_semaphore, #tpu.memory_space<semaphore_mem>>)
    %lt3A_274 = arith.constant 10 : i32
    %lt3A_275 = arith.cmpi slt, %arg1, %lt3A_274 : i32
    %convert_element_type3A_276 = arith.extui %lt3A_275 : i1 to i32
    %cond3A_277 = arith.constant 0 : i32
    %cond3A_278 = arith.cmpi ne, %convert_element_type3A_276, %cond3A_277 : i32
    scf.if %cond3A_278 {
      %mul3A_284 = arith.constant 8 : i32
      %mul3A_285 = arith.muli %arg1, %mul3A_284 : i32
      %add3A_286 = arith.constant 0 : i32
      %add3A_287 = arith.addi %mul3A_285, %add3A_286 : i32
      %mul3A_288 = arith.constant 128 : i32
      %mul3A_289 = arith.muli %add3A_287, %mul3A_288 : i32
      %dma_start3A_290 = arith.constant 0 : i32
      %dma_start3A_291 = arith.constant 0 : i32
      %dma_start3A_292 = tpu.memref_slice %arg11[%dma_start3A_290, %dma_start3A_291] : memref<8x128xf32, #tpu.memory_space<vmem>> -> memref<1x128xf32, #tpu.memory_space<vmem>>
      %dma_start3A_293 = tpu.memref_squeeze %dma_start3A_292 : memref<1x128xf32, #tpu.memory_space<vmem>> -> memref<128xf32, #tpu.memory_space<vmem>>
      %dma_start3A_294 = tpu.memref_slice %arg7[%mul3A_289] : memref<10240xf32, #tpu.memory_space<vmem_shared>> -> memref<128xf32, #tpu.memory_space<vmem_shared>>
      %dma_start3A_295 = arith.constant 0 : i32
      %dma_start3A_296 = tpu.memref_slice %arg11[%dma_start3A_290, %dma_start3A_295] : memref<8x128xf32, #tpu.memory_space<vmem>> -> memref<1x128xf32, #tpu.memory_space<vmem>>
      %dma_start3A_297 = tpu.memref_squeeze %dma_start3A_296 : memref<1x128xf32, #tpu.memory_space<vmem>> -> memref<128xf32, #tpu.memory_space<vmem>>
      %dma_start3A_298 = tpu.memref_slice %arg7[%mul3A_289] : memref<10240xf32, #tpu.memory_space<vmem_shared>> -> memref<128xf32, #tpu.memory_space<vmem_shared>>
      tpu.enqueue_dma source(%dma_start3A_298 : memref<128xf32, #tpu.memory_space<vmem_shared>>) target(%dma_start3A_297 : memref<128xf32, #tpu.memory_space<vmem>>) target_semaphore(%arg40 : memref<!tpu.dma_semaphore, #tpu.memory_space<semaphore_mem>>)
      %mul3A_299 = arith.constant 8 : i32
      %mul3A_300 = arith.muli %arg1, %mul3A_299 : i32
      %add3A_301 = arith.constant 1 : i32
      %add3A_302 = arith.addi %mul3A_300, %add3A_301 : i32
      %mul3A_303 = arith.constant 128 : i32
      %mul3A_304 = arith.muli %add3A_302, %mul3A_303 : i32
      %dma_start3A_305 = arith.constant 1 : i32
      %dma_start3A_306 = arith.constant 0 : i32
      %dma_start3A_307 = tpu.memref_slice %arg11[%dma_start3A_305, %dma_start3A_306] : memref<8x128xf32, #tpu.memory_space<vmem>> -> memref<1x128xf32, #tpu.memory_space<vmem>>
      %dma_start3A_308 = tpu.memref_squeeze %dma_start3A_307 : memref<1x128xf32, #tpu.memory_space<vmem>> -> memref<128xf32, #tpu.memory_space<vmem>>
      %dma_start3A_309 = tpu.memref_slice %arg7[%mul3A_304] : memref<10240xf32, #tpu.memory_space<vmem_shared>> -> memref<128xf32, #tpu.memory_space<vmem_shared>>
      %dma_start3A_310 = arith.constant 0 : i32
      %dma_start3A_311 = tpu.memref_slice %arg11[%dma_start3A_305, %dma_start3A_310] : memref<8x128xf32, #tpu.memory_space<vmem>> -> memref<1x128xf32, #tpu.memory_space<vmem>>
      %dma_start3A_312 = tpu.memref_squeeze %dma_start3A_311 : memref<1x128xf32, #tpu.memory_space<vmem>> -> memref<128xf32, #tpu.memory_space<vmem>>
      %dma_start3A_313 = tpu.memref_slice %arg7[%mul3A_304] : memref<10240xf32, #tpu.memory_space<vmem_shared>> -> memref<128xf32, #tpu.memory_space<vmem_shared>>
      tpu.enqueue_dma source(%dma_start3A_313 : memref<128xf32, #tpu.memory_space<vmem_shared>>) target(%dma_start3A_312 : memref<128xf32, #tpu.memory_space<vmem>>) target_semaphore(%arg40 : memref<!tpu.dma_semaphore, #tpu.memory_space<semaphore_mem>>)
      %mul3A_314 = arith.constant 8 : i32
      %mul3A_315 = arith.muli %arg1, %mul3A_314 : i32
      %add3A_316 = arith.constant 2 : i32
      %add3A_317 = arith.addi %mul3A_315, %add3A_316 : i32
      %mul3A_318 = arith.constant 128 : i32
      %mul3A_319 = arith.muli %add3A_317, %mul3A_318 : i32
      %dma_start3A_320 = arith.constant 2 : i32
      %dma_start3A_321 = arith.constant 0 : i32
      %dma_start3A_322 = tpu.memref_slice %arg11[%dma_start3A_320, %dma_start3A_321] : memref<8x128xf32, #tpu.memory_space<vmem>> -> memref<1x128xf32, #tpu.memory_space<vmem>>
      %dma_start3A_323 = tpu.memref_squeeze %dma_start3A_322 : memref<1x128xf32, #tpu.memory_space<vmem>> -> memref<128xf32, #tpu.memory_space<vmem>>
      %dma_start3A_324 = tpu.memref_slice %arg7[%mul3A_319] : memref<10240xf32, #tpu.memory_space<vmem_shared>> -> memref<128xf32, #tpu.memory_space<vmem_shared>>
      %dma_start3A_325 = arith.constant 0 : i32
      %dma_start3A_326 = tpu.memref_slice %arg11[%dma_start3A_320, %dma_start3A_325] : memref<8x128xf32, #tpu.memory_space<vmem>> -> memref<1x128xf32, #tpu.memory_space<vmem>>
      %dma_start3A_327 = tpu.memref_squeeze %dma_start3A_326 : memref<1x128xf32, #tpu.memory_space<vmem>> -> memref<128xf32, #tpu.memory_space<vmem>>
      %dma_start3A_328 = tpu.memref_slice %arg7[%mul3A_319] : memref<10240xf32, #tpu.memory_space<vmem_shared>> -> memref<128xf32, #tpu.memory_space<vmem_shared>>
      tpu.enqueue_dma source(%dma_start3A_328 : memref<128xf32, #tpu.memory_space<vmem_shared>>) target(%dma_start3A_327 : memref<128xf32, #tpu.memory_space<vmem>>) target_semaphore(%arg40 : memref<!tpu.dma_semaphore, #tpu.memory_space<semaphore_mem>>)
      %mul3A_329 = arith.constant 8 : i32
      %mul3A_330 = arith.muli %arg1, %mul3A_329 : i32
      %add3A_331 = arith.constant 3 : i32
      %add3A_332 = arith.addi %mul3A_330, %add3A_331 : i32
      %mul3A_333 = arith.constant 128 : i32
      %mul3A_334 = arith.muli %add3A_332, %mul3A_333 : i32
      %dma_start3A_335 = arith.constant 3 : i32
      %dma_start3A_336 = arith.constant 0 : i32
      %dma_start3A_337 = tpu.memref_slice %arg11[%dma_start3A_335, %dma_start3A_336] : memref<8x128xf32, #tpu.memory_space<vmem>> -> memref<1x128xf32, #tpu.memory_space<vmem>>
      %dma_start3A_338 = tpu.memref_squeeze %dma_start3A_337 : memref<1x128xf32, #tpu.memory_space<vmem>> -> memref<128xf32, #tpu.memory_space<vmem>>
      %dma_start3A_339 = tpu.memref_slice %arg7[%mul3A_334] : memref<10240xf32, #tpu.memory_space<vmem_shared>> -> memref<128xf32, #tpu.memory_space<vmem_shared>>
      %dma_start3A_340 = arith.constant 0 : i32
      %dma_start3A_341 = tpu.memref_slice %arg11[%dma_start3A_335, %dma_start3A_340] : memref<8x128xf32, #tpu.memory_space<vmem>> -> memref<1x128xf32, #tpu.memory_space<vmem>>
      %dma_start3A_342 = tpu.memref_squeeze %dma_start3A_341 : memref<1x128xf32, #tpu.memory_space<vmem>> -> memref<128xf32, #tpu.memory_space<vmem>>
      %dma_start3A_343 = tpu.memref_slice %arg7[%mul3A_334] : memref<10240xf32, #tpu.memory_space<vmem_shared>> -> memref<128xf32, #tpu.memory_space<vmem_shared>>
      tpu.enqueue_dma source(%dma_start3A_343 : memref<128xf32, #tpu.memory_space<vmem_shared>>) target(%dma_start3A_342 : memref<128xf32, #tpu.memory_space<vmem>>) target_semaphore(%arg40 : memref<!tpu.dma_semaphore, #tpu.memory_space<semaphore_mem>>)
      %mul3A_344 = arith.constant 8 : i32
      %mul3A_345 = arith.muli %arg1, %mul3A_344 : i32
      %add3A_346 = arith.constant 4 : i32
      %add3A_347 = arith.addi %mul3A_345, %add3A_346 : i32
      %mul3A_348 = arith.constant 128 : i32
      %mul3A_349 = arith.muli %add3A_347, %mul3A_348 : i32
      %dma_start3A_350 = arith.constant 4 : i32
      %dma_start3A_351 = arith.constant 0 : i32
      %dma_start3A_352 = tpu.memref_slice %arg11[%dma_start3A_350, %dma_start3A_351] : memref<8x128xf32, #tpu.memory_space<vmem>> -> memref<1x128xf32, #tpu.memory_space<vmem>>
      %dma_start3A_353 = tpu.memref_squeeze %dma_start3A_352 : memref<1x128xf32, #tpu.memory_space<vmem>> -> memref<128xf32, #tpu.memory_space<vmem>>
      %dma_start3A_354 = tpu.memref_slice %arg7[%mul3A_349] : memref<10240xf32, #tpu.memory_space<vmem_shared>> -> memref<128xf32, #tpu.memory_space<vmem_shared>>
      %dma_start3A_355 = arith.constant 0 : i32
      %dma_start3A_356 = tpu.memref_slice %arg11[%dma_start3A_350, %dma_start3A_355] : memref<8x128xf32, #tpu.memory_space<vmem>> -> memref<1x128xf32, #tpu.memory_space<vmem>>
      %dma_start3A_357 = tpu.memref_squeeze %dma_start3A_356 : memref<1x128xf32, #tpu.memory_space<vmem>> -> memref<128xf32, #tpu.memory_space<vmem>>
      %dma_start3A_358 = tpu.memref_slice %arg7[%mul3A_349] : memref<10240xf32, #tpu.memory_space<vmem_shared>> -> memref<128xf32, #tpu.memory_space<vmem_shared>>
      tpu.enqueue_dma source(%dma_start3A_358 : memref<128xf32, #tpu.memory_space<vmem_shared>>) target(%dma_start3A_357 : memref<128xf32, #tpu.memory_space<vmem>>) target_semaphore(%arg40 : memref<!tpu.dma_semaphore, #tpu.memory_space<semaphore_mem>>)
      %mul3A_359 = arith.constant 8 : i32
      %mul3A_360 = arith.muli %arg1, %mul3A_359 : i32
      %add3A_361 = arith.constant 5 : i32
      %add3A_362 = arith.addi %mul3A_360, %add3A_361 : i32
      %mul3A_363 = arith.constant 128 : i32
      %mul3A_364 = arith.muli %add3A_362, %mul3A_363 : i32
      %dma_start3A_365 = arith.constant 5 : i32
      %dma_start3A_366 = arith.constant 0 : i32
      %dma_start3A_367 = tpu.memref_slice %arg11[%dma_start3A_365, %dma_start3A_366] : memref<8x128xf32, #tpu.memory_space<vmem>> -> memref<1x128xf32, #tpu.memory_space<vmem>>
      %dma_start3A_368 = tpu.memref_squeeze %dma_start3A_367 : memref<1x128xf32, #tpu.memory_space<vmem>> -> memref<128xf32, #tpu.memory_space<vmem>>
      %dma_start3A_369 = tpu.memref_slice %arg7[%mul3A_364] : memref<10240xf32, #tpu.memory_space<vmem_shared>> -> memref<128xf32, #tpu.memory_space<vmem_shared>>
      %dma_start3A_370 = arith.constant 0 : i32
      %dma_start3A_371 = tpu.memref_slice %arg11[%dma_start3A_365, %dma_start3A_370] : memref<8x128xf32, #tpu.memory_space<vmem>> -> memref<1x128xf32, #tpu.memory_space<vmem>>
      %dma_start3A_372 = tpu.memref_squeeze %dma_start3A_371 : memref<1x128xf32, #tpu.memory_space<vmem>> -> memref<128xf32, #tpu.memory_space<vmem>>
      %dma_start3A_373 = tpu.memref_slice %arg7[%mul3A_364] : memref<10240xf32, #tpu.memory_space<vmem_shared>> -> memref<128xf32, #tpu.memory_space<vmem_shared>>
      tpu.enqueue_dma source(%dma_start3A_373 : memref<128xf32, #tpu.memory_space<vmem_shared>>) target(%dma_start3A_372 : memref<128xf32, #tpu.memory_space<vmem>>) target_semaphore(%arg40 : memref<!tpu.dma_semaphore, #tpu.memory_space<semaphore_mem>>)
      %mul3A_374 = arith.constant 8 : i32
      %mul3A_375 = arith.muli %arg1, %mul3A_374 : i32
      %add3A_376 = arith.constant 6 : i32
      %add3A_377 = arith.addi %mul3A_375, %add3A_376 : i32
      %mul3A_378 = arith.constant 128 : i32
      %mul3A_379 = arith.muli %add3A_377, %mul3A_378 : i32
      %dma_start3A_380 = arith.constant 6 : i32
      %dma_start3A_381 = arith.constant 0 : i32
      %dma_start3A_382 = tpu.memref_slice %arg11[%dma_start3A_380, %dma_start3A_381] : memref<8x128xf32, #tpu.memory_space<vmem>> -> memref<1x128xf32, #tpu.memory_space<vmem>>
      %dma_start3A_383 = tpu.memref_squeeze %dma_start3A_382 : memref<1x128xf32, #tpu.memory_space<vmem>> -> memref<128xf32, #tpu.memory_space<vmem>>
      %dma_start3A_384 = tpu.memref_slice %arg7[%mul3A_379] : memref<10240xf32, #tpu.memory_space<vmem_shared>> -> memref<128xf32, #tpu.memory_space<vmem_shared>>
      %dma_start3A_385 = arith.constant 0 : i32
      %dma_start3A_386 = tpu.memref_slice %arg11[%dma_start3A_380, %dma_start3A_385] : memref<8x128xf32, #tpu.memory_space<vmem>> -> memref<1x128xf32, #tpu.memory_space<vmem>>
      %dma_start3A_387 = tpu.memref_squeeze %dma_start3A_386 : memref<1x128xf32, #tpu.memory_space<vmem>> -> memref<128xf32, #tpu.memory_space<vmem>>
      %dma_start3A_388 = tpu.memref_slice %arg7[%mul3A_379] : memref<10240xf32, #tpu.memory_space<vmem_shared>> -> memref<128xf32, #tpu.memory_space<vmem_shared>>
      tpu.enqueue_dma source(%dma_start3A_388 : memref<128xf32, #tpu.memory_space<vmem_shared>>) target(%dma_start3A_387 : memref<128xf32, #tpu.memory_space<vmem>>) target_semaphore(%arg40 : memref<!tpu.dma_semaphore, #tpu.memory_space<semaphore_mem>>)
      %mul3A_389 = arith.constant 8 : i32
      %mul3A_390 = arith.muli %arg1, %mul3A_389 : i32
      %add3A_391 = arith.constant 7 : i32
      %add3A_392 = arith.addi %mul3A_390, %add3A_391 : i32
      %mul3A_393 = arith.constant 128 : i32
      %mul3A_394 = arith.muli %add3A_392, %mul3A_393 : i32
      %dma_start3A_395 = arith.constant 7 : i32
      %dma_start3A_396 = arith.constant 0 : i32
      %dma_start3A_397 = tpu.memref_slice %arg11[%dma_start3A_395, %dma_start3A_396] : memref<8x128xf32, #tpu.memory_space<vmem>> -> memref<1x128xf32, #tpu.memory_space<vmem>>
      %dma_start3A_398 = tpu.memref_squeeze %dma_start3A_397 : memref<1x128xf32, #tpu.memory_space<vmem>> -> memref<128xf32, #tpu.memory_space<vmem>>
      %dma_start3A_399 = tpu.memref_slice %arg7[%mul3A_394] : memref<10240xf32, #tpu.memory_space<vmem_shared>> -> memref<128xf32, #tpu.memory_space<vmem_shared>>
      %dma_start3A_400 = arith.constant 0 : i32
      %dma_start3A_401 = tpu.memref_slice %arg11[%dma_start3A_395, %dma_start3A_400] : memref<8x128xf32, #tpu.memory_space<vmem>> -> memref<1x128xf32, #tpu.memory_space<vmem>>
      %dma_start3A_402 = tpu.memref_squeeze %dma_start3A_401 : memref<1x128xf32, #tpu.memory_space<vmem>> -> memref<128xf32, #tpu.memory_space<vmem>>
      %dma_start3A_403 = tpu.memref_slice %arg7[%mul3A_394] : memref<10240xf32, #tpu.memory_space<vmem_shared>> -> memref<128xf32, #tpu.memory_space<vmem_shared>>
      tpu.enqueue_dma source(%dma_start3A_403 : memref<128xf32, #tpu.memory_space<vmem_shared>>) target(%dma_start3A_402 : memref<128xf32, #tpu.memory_space<vmem>>) target_semaphore(%arg40 : memref<!tpu.dma_semaphore, #tpu.memory_space<semaphore_mem>>)
      %dma_wait3A_404 = arith.constant 0 : i32
      %dma_wait3A_405 = arith.constant 0 : i32
      %dma_wait3A_406 = tpu.memref_slice %arg11[%dma_wait3A_404, %dma_wait3A_405] : memref<8x128xf32, #tpu.memory_space<vmem>> -> memref<1x128xf32, #tpu.memory_space<vmem>>
      %dma_wait3A_407 = tpu.memref_squeeze %dma_wait3A_406 : memref<1x128xf32, #tpu.memory_space<vmem>> -> memref<128xf32, #tpu.memory_space<vmem>>
      %dma_wait3A_408 = tpu.memref_slice %arg7[%mul3A_289] : memref<10240xf32, #tpu.memory_space<vmem_shared>> -> memref<128xf32, #tpu.memory_space<vmem_shared>>
      %dma_wait3A_409 = arith.constant 0 : i32
      %dma_wait3A_410 = tpu.memref_slice %arg11[%dma_wait3A_404, %dma_wait3A_409] : memref<8x128xf32, #tpu.memory_space<vmem>> -> memref<1x128xf32, #tpu.memory_space<vmem>>
      %dma_wait3A_411 = tpu.memref_squeeze %dma_wait3A_410 : memref<1x128xf32, #tpu.memory_space<vmem>> -> memref<128xf32, #tpu.memory_space<vmem>>
      %dma_wait3A_412 = tpu.memref_slice %arg7[%mul3A_289] : memref<10240xf32, #tpu.memory_space<vmem_shared>> -> memref<128xf32, #tpu.memory_space<vmem_shared>>
      tpu.wait_dma2 semaphore(%arg40 : memref<!tpu.dma_semaphore, #tpu.memory_space<semaphore_mem>>) src(%dma_wait3A_412 : memref<128xf32, #tpu.memory_space<vmem_shared>>) dst(%dma_wait3A_411 : memref<128xf32, #tpu.memory_space<vmem>>)
      %dma_wait3A_413 = arith.constant 1 : i32
      %dma_wait3A_414 = arith.constant 0 : i32
      %dma_wait3A_415 = tpu.memref_slice %arg11[%dma_wait3A_413, %dma_wait3A_414] : memref<8x128xf32, #tpu.memory_space<vmem>> -> memref<1x128xf32, #tpu.memory_space<vmem>>
      %dma_wait3A_416 = tpu.memref_squeeze %dma_wait3A_415 : memref<1x128xf32, #tpu.memory_space<vmem>> -> memref<128xf32, #tpu.memory_space<vmem>>
      %dma_wait3A_417 = tpu.memref_slice %arg7[%mul3A_304] : memref<10240xf32, #tpu.memory_space<vmem_shared>> -> memref<128xf32, #tpu.memory_space<vmem_shared>>
      %dma_wait3A_418 = arith.constant 0 : i32
      %dma_wait3A_419 = tpu.memref_slice %arg11[%dma_wait3A_413, %dma_wait3A_418] : memref<8x128xf32, #tpu.memory_space<vmem>> -> memref<1x128xf32, #tpu.memory_space<vmem>>
      %dma_wait3A_420 = tpu.memref_squeeze %dma_wait3A_419 : memref<1x128xf32, #tpu.memory_space<vmem>> -> memref<128xf32, #tpu.memory_space<vmem>>
      %dma_wait3A_421 = tpu.memref_slice %arg7[%mul3A_304] : memref<10240xf32, #tpu.memory_space<vmem_shared>> -> memref<128xf32, #tpu.memory_space<vmem_shared>>
      tpu.wait_dma2 semaphore(%arg40 : memref<!tpu.dma_semaphore, #tpu.memory_space<semaphore_mem>>) src(%dma_wait3A_421 : memref<128xf32, #tpu.memory_space<vmem_shared>>) dst(%dma_wait3A_420 : memref<128xf32, #tpu.memory_space<vmem>>)
      %dma_wait3A_422 = arith.constant 2 : i32
      %dma_wait3A_423 = arith.constant 0 : i32
      %dma_wait3A_424 = tpu.memref_slice %arg11[%dma_wait3A_422, %dma_wait3A_423] : memref<8x128xf32, #tpu.memory_space<vmem>> -> memref<1x128xf32, #tpu.memory_space<vmem>>
      %dma_wait3A_425 = tpu.memref_squeeze %dma_wait3A_424 : memref<1x128xf32, #tpu.memory_space<vmem>> -> memref<128xf32, #tpu.memory_space<vmem>>
      %dma_wait3A_426 = tpu.memref_slice %arg7[%mul3A_319] : memref<10240xf32, #tpu.memory_space<vmem_shared>> -> memref<128xf32, #tpu.memory_space<vmem_shared>>
      %dma_wait3A_427 = arith.constant 0 : i32
      %dma_wait3A_428 = tpu.memref_slice %arg11[%dma_wait3A_422, %dma_wait3A_427] : memref<8x128xf32, #tpu.memory_space<vmem>> -> memref<1x128xf32, #tpu.memory_space<vmem>>
      %dma_wait3A_429 = tpu.memref_squeeze %dma_wait3A_428 : memref<1x128xf32, #tpu.memory_space<vmem>> -> memref<128xf32, #tpu.memory_space<vmem>>
      %dma_wait3A_430 = tpu.memref_slice %arg7[%mul3A_319] : memref<10240xf32, #tpu.memory_space<vmem_shared>> -> memref<128xf32, #tpu.memory_space<vmem_shared>>
      tpu.wait_dma2 semaphore(%arg40 : memref<!tpu.dma_semaphore, #tpu.memory_space<semaphore_mem>>) src(%dma_wait3A_430 : memref<128xf32, #tpu.memory_space<vmem_shared>>) dst(%dma_wait3A_429 : memref<128xf32, #tpu.memory_space<vmem>>)
      %dma_wait3A_431 = arith.constant 3 : i32
      %dma_wait3A_432 = arith.constant 0 : i32
      %dma_wait3A_433 = tpu.memref_slice %arg11[%dma_wait3A_431, %dma_wait3A_432] : memref<8x128xf32, #tpu.memory_space<vmem>> -> memref<1x128xf32, #tpu.memory_space<vmem>>
      %dma_wait3A_434 = tpu.memref_squeeze %dma_wait3A_433 : memref<1x128xf32, #tpu.memory_space<vmem>> -> memref<128xf32, #tpu.memory_space<vmem>>
      %dma_wait3A_435 = tpu.memref_slice %arg7[%mul3A_334] : memref<10240xf32, #tpu.memory_space<vmem_shared>> -> memref<128xf32, #tpu.memory_space<vmem_shared>>
      %dma_wait3A_436 = arith.constant 0 : i32
      %dma_wait3A_437 = tpu.memref_slice %arg11[%dma_wait3A_431, %dma_wait3A_436] : memref<8x128xf32, #tpu.memory_space<vmem>> -> memref<1x128xf32, #tpu.memory_space<vmem>>
      %dma_wait3A_438 = tpu.memref_squeeze %dma_wait3A_437 : memref<1x128xf32, #tpu.memory_space<vmem>> -> memref<128xf32, #tpu.memory_space<vmem>>
      %dma_wait3A_439 = tpu.memref_slice %arg7[%mul3A_334] : memref<10240xf32, #tpu.memory_space<vmem_shared>> -> memref<128xf32, #tpu.memory_space<vmem_shared>>
      tpu.wait_dma2 semaphore(%arg40 : memref<!tpu.dma_semaphore, #tpu.memory_space<semaphore_mem>>) src(%dma_wait3A_439 : memref<128xf32, #tpu.memory_space<vmem_shared>>) dst(%dma_wait3A_438 : memref<128xf32, #tpu.memory_space<vmem>>)
      %dma_wait3A_440 = arith.constant 4 : i32
      %dma_wait3A_441 = arith.constant 0 : i32
      %dma_wait3A_442 = tpu.memref_slice %arg11[%dma_wait3A_440, %dma_wait3A_441] : memref<8x128xf32, #tpu.memory_space<vmem>> -> memref<1x128xf32, #tpu.memory_space<vmem>>
      %dma_wait3A_443 = tpu.memref_squeeze %dma_wait3A_442 : memref<1x128xf32, #tpu.memory_space<vmem>> -> memref<128xf32, #tpu.memory_space<vmem>>
      %dma_wait3A_444 = tpu.memref_slice %arg7[%mul3A_349] : memref<10240xf32, #tpu.memory_space<vmem_shared>> -> memref<128xf32, #tpu.memory_space<vmem_shared>>
      %dma_wait3A_445 = arith.constant 0 : i32
      %dma_wait3A_446 = tpu.memref_slice %arg11[%dma_wait3A_440, %dma_wait3A_445] : memref<8x128xf32, #tpu.memory_space<vmem>> -> memref<1x128xf32, #tpu.memory_space<vmem>>
      %dma_wait3A_447 = tpu.memref_squeeze %dma_wait3A_446 : memref<1x128xf32, #tpu.memory_space<vmem>> -> memref<128xf32, #tpu.memory_space<vmem>>
      %dma_wait3A_448 = tpu.memref_slice %arg7[%mul3A_349] : memref<10240xf32, #tpu.memory_space<vmem_shared>> -> memref<128xf32, #tpu.memory_space<vmem_shared>>
      tpu.wait_dma2 semaphore(%arg40 : memref<!tpu.dma_semaphore, #tpu.memory_space<semaphore_mem>>) src(%dma_wait3A_448 : memref<128xf32, #tpu.memory_space<vmem_shared>>) dst(%dma_wait3A_447 : memref<128xf32, #tpu.memory_space<vmem>>)
      %dma_wait3A_449 = arith.constant 5 : i32
      %dma_wait3A_450 = arith.constant 0 : i32
      %dma_wait3A_451 = tpu.memref_slice %arg11[%dma_wait3A_449, %dma_wait3A_450] : memref<8x128xf32, #tpu.memory_space<vmem>> -> memref<1x128xf32, #tpu.memory_space<vmem>>
      %dma_wait3A_452 = tpu.memref_squeeze %dma_wait3A_451 : memref<1x128xf32, #tpu.memory_space<vmem>> -> memref<128xf32, #tpu.memory_space<vmem>>
      %dma_wait3A_453 = tpu.memref_slice %arg7[%mul3A_364] : memref<10240xf32, #tpu.memory_space<vmem_shared>> -> memref<128xf32, #tpu.memory_space<vmem_shared>>
      %dma_wait3A_454 = arith.constant 0 : i32
      %dma_wait3A_455 = tpu.memref_slice %arg11[%dma_wait3A_449, %dma_wait3A_454] : memref<8x128xf32, #tpu.memory_space<vmem>> -> memref<1x128xf32, #tpu.memory_space<vmem>>
      %dma_wait3A_456 = tpu.memref_squeeze %dma_wait3A_455 : memref<1x128xf32, #tpu.memory_space<vmem>> -> memref<128xf32, #tpu.memory_space<vmem>>
      %dma_wait3A_457 = tpu.memref_slice %arg7[%mul3A_364] : memref<10240xf32, #tpu.memory_space<vmem_shared>> -> memref<128xf32, #tpu.memory_space<vmem_shared>>
      tpu.wait_dma2 semaphore(%arg40 : memref<!tpu.dma_semaphore, #tpu.memory_space<semaphore_mem>>) src(%dma_wait3A_457 : memref<128xf32, #tpu.memory_space<vmem_shared>>) dst(%dma_wait3A_456 : memref<128xf32, #tpu.memory_space<vmem>>)
      %dma_wait3A_458 = arith.constant 6 : i32
      %dma_wait3A_459 = arith.constant 0 : i32
      %dma_wait3A_460 = tpu.memref_slice %arg11[%dma_wait3A_458, %dma_wait3A_459] : memref<8x128xf32, #tpu.memory_space<vmem>> -> memref<1x128xf32, #tpu.memory_space<vmem>>
      %dma_wait3A_461 = tpu.memref_squeeze %dma_wait3A_460 : memref<1x128xf32, #tpu.memory_space<vmem>> -> memref<128xf32, #tpu.memory_space<vmem>>
      %dma_wait3A_462 = tpu.memref_slice %arg7[%mul3A_379] : memref<10240xf32, #tpu.memory_space<vmem_shared>> -> memref<128xf32, #tpu.memory_space<vmem_shared>>
      %dma_wait3A_463 = arith.constant 0 : i32
      %dma_wait3A_464 = tpu.memref_slice %arg11[%dma_wait3A_458, %dma_wait3A_463] : memref<8x128xf32, #tpu.memory_space<vmem>> -> memref<1x128xf32, #tpu.memory_space<vmem>>
      %dma_wait3A_465 = tpu.memref_squeeze %dma_wait3A_464 : memref<1x128xf32, #tpu.memory_space<vmem>> -> memref<128xf32, #tpu.memory_space<vmem>>
      %dma_wait3A_466 = tpu.memref_slice %arg7[%mul3A_379] : memref<10240xf32, #tpu.memory_space<vmem_shared>> -> memref<128xf32, #tpu.memory_space<vmem_shared>>
      tpu.wait_dma2 semaphore(%arg40 : memref<!tpu.dma_semaphore, #tpu.memory_space<semaphore_mem>>) src(%dma_wait3A_466 : memref<128xf32, #tpu.memory_space<vmem_shared>>) dst(%dma_wait3A_465 : memref<128xf32, #tpu.memory_space<vmem>>)
      %dma_wait3A_467 = arith.constant 7 : i32
      %dma_wait3A_468 = arith.constant 0 : i32
      %dma_wait3A_469 = tpu.memref_slice %arg11[%dma_wait3A_467, %dma_wait3A_468] : memref<8x128xf32, #tpu.memory_space<vmem>> -> memref<1x128xf32, #tpu.memory_space<vmem>>
      %dma_wait3A_470 = tpu.memref_squeeze %dma_wait3A_469 : memref<1x128xf32, #tpu.memory_space<vmem>> -> memref<128xf32, #tpu.memory_space<vmem>>
      %dma_wait3A_471 = tpu.memref_slice %arg7[%mul3A_394] : memref<10240xf32, #tpu.memory_space<vmem_shared>> -> memref<128xf32, #tpu.memory_space<vmem_shared>>
      %dma_wait3A_472 = arith.constant 0 : i32
      %dma_wait3A_473 = tpu.memref_slice %arg11[%dma_wait3A_467, %dma_wait3A_472] : memref<8x128xf32, #tpu.memory_space<vmem>> -> memref<1x128xf32, #tpu.memory_space<vmem>>
      %dma_wait3A_474 = tpu.memref_squeeze %dma_wait3A_473 : memref<1x128xf32, #tpu.memory_space<vmem>> -> memref<128xf32, #tpu.memory_space<vmem>>
      %dma_wait3A_475 = tpu.memref_slice %arg7[%mul3A_394] : memref<10240xf32, #tpu.memory_space<vmem_shared>> -> memref<128xf32, #tpu.memory_space<vmem_shared>>
      tpu.wait_dma2 semaphore(%arg40 : memref<!tpu.dma_semaphore, #tpu.memory_space<semaphore_mem>>) src(%dma_wait3A_475 : memref<128xf32, #tpu.memory_space<vmem_shared>>) dst(%dma_wait3A_474 : memref<128xf32, #tpu.memory_space<vmem>>)
      %mul3A_476 = arith.constant 8 : i32
      %mul3A_477 = arith.muli %arg1, %mul3A_476 : i32
      "tpu.region"() ({
        %run_scoped3A = tpu.sem_alloc : memref<!tpu.dma_semaphore, #tpu.memory_space<semaphore_mem>>
        %dma_start3A_478 = arith.constant 0 : i32
        %dma_start3A_479 = tpu.memref_slice %arg5[%arg0, %mul3A_477, %dma_start3A_478] : memref<2x80x128xf32, #tpu.memory_space<hbm>> -> memref<1x8x128xf32, #tpu.memory_space<hbm>>
        %dma_start3A_480 = tpu.memref_squeeze %dma_start3A_479 : memref<1x8x128xf32, #tpu.memory_space<hbm>> -> memref<8x128xf32, #tpu.memory_space<hbm>>
        %dma_start3A_481 = arith.constant 0 : i32
        %dma_start3A_482 = tpu.memref_slice %arg5[%arg0, %mul3A_477, %dma_start3A_481] : memref<2x80x128xf32, #tpu.memory_space<hbm>> -> memref<1x8x128xf32, #tpu.memory_space<hbm>>
        %dma_start3A_483 = tpu.memref_squeeze %dma_start3A_482 : memref<1x8x128xf32, #tpu.memory_space<hbm>> -> memref<8x128xf32, #tpu.memory_space<hbm>>
        tpu.enqueue_dma source(%arg11 : memref<8x128xf32, #tpu.memory_space<vmem>>) target(%dma_start3A_483 : memref<8x128xf32, #tpu.memory_space<hbm>>) target_semaphore(%run_scoped3A : memref<!tpu.dma_semaphore, #tpu.memory_space<semaphore_mem>>)
        %dma_wait3A_484 = arith.constant 0 : i32
        %dma_wait3A_485 = tpu.memref_slice %arg5[%arg0, %mul3A_477, %dma_wait3A_484] : memref<2x80x128xf32, #tpu.memory_space<hbm>> -> memref<1x8x128xf32, #tpu.memory_space<hbm>>
        %dma_wait3A_486 = tpu.memref_squeeze %dma_wait3A_485 : memref<1x8x128xf32, #tpu.memory_space<hbm>> -> memref<8x128xf32, #tpu.memory_space<hbm>>
        %dma_wait3A_487 = arith.constant 0 : i32
        %dma_wait3A_488 = tpu.memref_slice %arg5[%arg0, %mul3A_477, %dma_wait3A_487] : memref<2x80x128xf32, #tpu.memory_space<hbm>> -> memref<1x8x128xf32, #tpu.memory_space<hbm>>
        %dma_wait3A_489 = tpu.memref_squeeze %dma_wait3A_488 : memref<1x8x128xf32, #tpu.memory_space<hbm>> -> memref<8x128xf32, #tpu.memory_space<hbm>>
        tpu.wait_dma2 semaphore(%run_scoped3A : memref<!tpu.dma_semaphore, #tpu.memory_space<semaphore_mem>>) src(%arg11 : memref<8x128xf32, #tpu.memory_space<vmem>>) dst(%dma_wait3A_489 : memref<8x128xf32, #tpu.memory_space<hbm>>)
        tpu.yield
      }) : () -> ()
    } else {
    }
    %dma_wait3A_279 = arith.constant 0 : i32
    %dma_wait3A_280 = tpu.memref_slice %arg4[%arg0, %mul3A_268, %dma_wait3A_279] : memref<2x10240x128xf32, #tpu.memory_space<hbm>> -> memref<1x640x128xf32, #tpu.memory_space<hbm>>
    %dma_wait3A_281 = tpu.memref_squeeze %dma_wait3A_280 : memref<1x640x128xf32, #tpu.memory_space<hbm>> -> memref<640x128xf32, #tpu.memory_space<hbm>>
    %dma_wait3A_282 = arith.constant 0 : i32
    %dma_wait3A_283 = tpu.memref_slice %arg6[%mul3A_266, %dma_wait3A_282] : memref<10240x128xf32, #tpu.memory_space<vmem_shared>> -> memref<640x128xf32, #tpu.memory_space<vmem_shared>>
    tpu.wait_dma2 semaphore(%arg40 : memref<!tpu.dma_semaphore, #tpu.memory_space<semaphore_mem>>) src(%dma_wait3A_283 : memref<640x128xf32, #tpu.memory_space<vmem_shared>>) dst(%dma_wait3A_281 : memref<640x128xf32, #tpu.memory_space<hbm>>)
    return
  }
}

module attributes {stable_mosaic.version = 14 : i64} {
  func.func @body(%arg0: i32, %arg1: memref<1x2000x128xf32, #tpu.memory_space<vmem>>, %arg2: memref<1x2000x128xf32, #tpu.memory_space<vmem>>, %arg3: memref<2000x1xf32, #tpu.memory_space<vmem>>, %arg4: memref<128x128xf32, #tpu.memory_space<vmem>>, %arg5: memref<1xf32, #tpu.memory_space<smem>>, %arg6: memref<2000x128xf32, #tpu.memory_space<vmem>>) attributes {dimension_semantics = [#tpu.dimension_semantics<arbitrary>], iteration_bounds = array<i64: 5>, scalar_prefetch = 0 : i64, scratch_operands = 0 : i64, tpu.core_type = #tpu.core_type<tc>, window_params = [{transform_indices = @transform_0, window_bounds = array<i64: 1, 2000, 128>}, {transform_indices = @transform_1, window_bounds = array<i64: 1, 2000, 128>}, {transform_indices = @transform_2, window_bounds = array<i64: 2000, 1>}, {pipeline_mode = #tpu.pipeline_mode<synchronous>, transform_indices = @transform_3, window_bounds = array<i64: 128, 128>}, {transform_indices = @transform_4, window_bounds = array<i64: 1>}, {transform_indices = @transform_5, window_bounds = array<i64: 2000, 128>}]} {
    %get3A = arith.constant 0 : index
    %get3A_0 = arith.constant 0 : index
    %get3A_1 = arith.constant 0 : index
    %get3A_2 = vector.load %arg1[%get3A, %get3A_0, %get3A_1] : memref<1x2000x128xf32, #tpu.memory_space<vmem>>, vector<1x2000x128xf32>
    %get3A_3 = vector.shape_cast %get3A_2 : vector<1x2000x128xf32> to vector<2000x128xf32>
    %get3A_4 = arith.constant 0 : index
    %get3A_5 = arith.constant 0 : index
    %get3A_6 = arith.constant 0 : index
    %get3A_7 = vector.load %arg2[%get3A_4, %get3A_5, %get3A_6] : memref<1x2000x128xf32, #tpu.memory_space<vmem>>, vector<1x2000x128xf32>
    %get3A_8 = vector.shape_cast %get3A_7 : vector<1x2000x128xf32> to vector<2000x128xf32>
    %add3A = arith.addf %get3A_3, %get3A_8 : vector<2000x128xf32>
    %get3A_9 = arith.constant 0 : index
    %get3A_10 = arith.constant 0 : index
    %get3A_11 = vector.load %arg4[%get3A_9, %get3A_10] : memref<128x128xf32, #tpu.memory_space<vmem>>, vector<128x128xf32>
    %dot_general3A = arith.constant dense<0.000000e+00> : vector<2000x128xf32>
    %dot_general3A_12 = tpu.matmul %add3A, %get3A_11, %dot_general3A {dimension_numbers = #tpu.dot_dimension_numbers<[1], [1], [0], [0], [0, 0, 1, 0], [], []>, transpose_lhs_hint = false} : vector<2000x128xf32>, vector<128x128xf32>, vector<2000x128xf32> -> vector<2000x128xf32>
    %get3A_13 = arith.constant 0 : index
    %get3A_14 = arith.constant 0 : index
    %get3A_15 = vector.load %arg3[%get3A_13, %get3A_14] : memref<2000x1xf32, #tpu.memory_space<vmem>>, vector<2000x1xf32>
    %mul3A = vector.broadcast %get3A_15 : vector<2000x1xf32> to vector<2000x128xf32>
    %mul3A_16 = arith.mulf %dot_general3A_12, %mul3A : vector<2000x128xf32>
    %get3A_17 = arith.constant 0 : index
    %get3A_18 = memref.load %arg5[%get3A_17] : memref<1xf32, #tpu.memory_space<smem>>
    %ge3A = arith.constant 0.000000e+00 : f32
    %ge3A_19 = vector.broadcast %ge3A : f32 to vector<2000x128xf32>
    %ge3A_20 = arith.cmpf oge, %mul3A_16, %ge3A_19 : vector<2000x128xf32>
    %mul3A_21 = vector.broadcast %get3A_18 : f32 to vector<2000x128xf32>
    %mul3A_22 = arith.mulf %mul3A_21, %mul3A_16 : vector<2000x128xf32>
    %select_n3A = arith.select %ge3A_20, %mul3A_16, %mul3A_22 : vector<2000x128xi1>, vector<2000x128xf32>
    %swap3A = arith.constant 0 : index
    %swap3A_23 = arith.constant 0 : index
    %swap3A_24 = vector.load %arg6[%swap3A, %swap3A_23] : memref<2000x128xf32, #tpu.memory_space<vmem>>, vector<2000x128xf32>
    tpu.vector_store %arg6[%swap3A, %swap3A_23], %select_n3A {strides = array<i32>} : memref<2000x128xf32, #tpu.memory_space<vmem>>, vector<2000x128xf32>,
    return
  }
  func.func @transform_0(%arg0: i32) -> (i32, i32, i32) {
    %c0_i32 = arith.constant 0 : i32
    %c0_i32_0 = arith.constant 0 : i32
    %c0_i32_1 = arith.constant 0 : i32
    return %c0_i32, %arg0, %c0_i32_0 : i32, i32, i32
  }
  func.func @transform_1(%arg0: i32) -> (i32, i32, i32) {
    %c1_i32 = arith.constant 1 : i32
    %c0_i32 = arith.constant 0 : i32
    %c0_i32_0 = arith.constant 0 : i32
    return %c1_i32, %arg0, %c0_i32 : i32, i32, i32
  }
  func.func @transform_2(%arg0: i32) -> (i32, i32) {
    %c0_i32 = arith.constant 0 : i32
    %c0_i32_0 = arith.constant 0 : i32
    return %arg0, %c0_i32 : i32, i32
  }
  func.func @transform_3(%arg0: i32) -> (i32, i32) {
    %c0_i32 = arith.constant 0 : i32
    %c0_i32_0 = arith.constant 0 : i32
    %c0_i32_1 = arith.constant 0 : i32
    return %c0_i32, %c0_i32_0 : i32, i32
  }
  func.func @transform_4(%arg0: i32) -> i32 {
    %c0_i32 = arith.constant 0 : i32
    %c0_i32_0 = arith.constant 0 : i32
    return %c0_i32 : i32
  }
  func.func @transform_5(%arg0: i32) -> (i32, i32) {
    %c0_i32 = arith.constant 0 : i32
    %c0_i32_0 = arith.constant 0 : i32
    return %arg0, %c0_i32 : i32, i32
  }
}

module attributes {stable_mosaic.version = 14 : i64} {
  func.func @body(%arg0: memref<2x80x128xf32, #tpu.memory_space<vmem>>, %arg1: memref<80x128xf32, #tpu.memory_space<vmem>>) attributes {dimension_semantics = [], scalar_prefetch = 0 : i64, scratch_operands = 0 : i64, tpu.core_type = #tpu.core_type<tc>} {
    %get3A = arith.constant 0 : index
    %get3A_0 = arith.constant 0 : index
    %get3A_1 = arith.constant 0 : index
    %get3A_2 = vector.load %arg0[%get3A, %get3A_0, %get3A_1] : memref<2x80x128xf32, #tpu.memory_space<vmem>>, vector<1x80x128xf32>
    %get3A_3 = vector.shape_cast %get3A_2 : vector<1x80x128xf32> to vector<80x128xf32>
    %get3A_4 = arith.constant 1 : index
    %get3A_5 = arith.constant 0 : index
    %get3A_6 = arith.constant 0 : index
    %get3A_7 = vector.load %arg0[%get3A_4, %get3A_5, %get3A_6] : memref<2x80x128xf32, #tpu.memory_space<vmem>>, vector<1x80x128xf32>
    %get3A_8 = vector.shape_cast %get3A_7 : vector<1x80x128xf32> to vector<80x128xf32>
    %add3A = arith.addf %get3A_3, %get3A_8 : vector<80x128xf32>
    %add3A_9 = arith.constant 9.99999993E-9 : f32
    %add3A_10 = vector.broadcast %add3A_9 : f32 to vector<80x128xf32>
    %add3A_11 = arith.addf %add3A, %add3A_10 : vector<80x128xf32>
    %div3A = arith.constant 1.000000e+00 : f32
    %div3A_12 = vector.broadcast %div3A : f32 to vector<80x128xf32>
    %div3A_13 = arith.divf %div3A_12, %add3A_11 : vector<80x128xf32>
    %swap3A = arith.constant 0 : index
    %swap3A_14 = arith.constant 0 : index
    %swap3A_15 = vector.load %arg1[%swap3A, %swap3A_14] : memref<80x128xf32, #tpu.memory_space<vmem>>, vector<80x128xf32>
    tpu.vector_store %arg1[%swap3A, %swap3A_14], %div3A_13 {strides = array<i32>} : memref<80x128xf32, #tpu.memory_space<vmem>>, vector<80x128xf32>,
    return
  }
}

</mosaic_0001>

<sc_bundles>
// kernel: kernel.5.cloned.1.call-start
scs
__scs_entry_jumppad:
0x0: {  	(pc) =	sbr.rel $0x88, $3  }
0x1: {  	(tag) =	ssettag $0x0;
	lr =	simm.s32 $0x1  }
0x2: {  	[smem:$0x3F9D] =	sst lr;
	_ =	strace $0xD0000000  }
0x3: {  	_ = 	snop  }
0x4: {  	_ = 	snop  }
0x5: {  	_ = 	snop  }
0x6: {  	_ = 	snop  }
0x7: {  	_ = 	snop  }
__scs_overlays_trampoline_lowered:
0x8: {  	[smem:$0x3FAC] =	sst s0  }
0x9: {  	[smem:$0x3FAD] =	sst s1  }
0xa: {  	[smem:$0x3FAE] =	sst s2  }
0xb: {  	[smem:$0x3FAF] =	sst s3  }
0xc: {  	[smem:$0x3FB0] =	sst s4  }
0xd: {  	[smem:$0x3FB1] =	sst s5  }
0xe: {  	[smem:$0x3FB2] =	sst s6  }
0xf: {  	[smem:$0x3FB3] =	sst s7  }
0x10: {  	[smem:$0x3FB4] =	sst s8  }
0x11: {  	[smem:$0x3FB5] =	sst s9;
	s0 =	simm.s32 @!p0 $0x0  }
0x12: {  	s1 =	sld [smem:$0x3F9B];
	s0 =	simm.s32 @p0 $0x1  }
0x13: {  	[smem:$0x3FB6] =	sst s0;
	s0 =	simm.s32 @!p1 $0x0  }
0x14: {  	s2 =	sld [smem:$0x3F9A];
	s0 =	simm.s32 @p1 $0x1  }
0x15: {  	[smem:$0x3FB7] =	sst s0;
	s0 =	simm.s32 @!p2 $0x0  }
0x16: {  	s3 =	sld [smem:$0x3FDB];
	s0 =	simm.s32 @p2 $0x1  }
0x17: {  	s4 =	simm.s32 $0x1BF5;
	[smem:$0x3FB9] =	sst s0  }
0x18: {  	s0 =	sld [smem:$0x3F9C];
	_ =	swait.ge [sflag:s4], $0x0  }
0x19: {  	s7 =	sld [smem:$0x3F9D]  }
0x1a: {  	s8 =	sadd.s32 $0xFFFFE003, lr  }
0x1b: {  	s9 =	sadd.s32 $0xFFFFFEF7, lr;
	s5 =	simm.s32 $0xFFFFFFFF;
	p2 =	slt.u32 s8, $0xFFFFF086  }
0x1c: {  	p1 =	slt.u32 s9, $0xF7A;
	s5 =	simm.s32 @!p2 $0x0  }
0x1d: {  	s5 =	simm.s32 @p1 $0x1;
	p0 =	seq.s32 s7, s2  }
0x1e: {  	s7 =	smul.u32 @!p0 $0xF7A, s2;
	p2 =	seq.s32 @!p0 s5, $0x0  }
0x1f: {  	s9 =	smul.u32 $0xF7A, s1;
	s8 =	simm.s32 @!p0 $0x1BF5;
	p2 =	por !p2, p0  }
0x20: {  	[sflag:s8] =	ssyncset.s32 @!p0 $0xFFFFF086;
	s6 =	sadd.s32 @!p0 s3, s7;
	s7 =	simm.s32 @!p0 $0x108  }
0x21: {  	s3 =	sadd.s32 s3, s9;
	s6 =	sadd.s32 @!p0 $0x88, s6;
	s7 =	simm.s32 @p2 $0x1082  }
0x22: {  	[simem:s7], [sflag:s8] =	dma.local @!p0 [hbm:s6], $0xF7A  }
0x23: {  	s9 =	sor.u32 $0xD0000000, s2;
	s6 =	simm.s32 $0x108;
	_ =	swait.ge @!p0 [sflag:s8], $0x0  }
0x24: {  	s3 =	sadd.s32 $0x88, s3;
	s6 =	simm.s32 @!p1 $0x1082;
	[sflag:s4] =	ssyncset.s32 $0xFFFFF086  }
0x25: {  	[simem:s6], [sflag:s4] =	dma.local [hbm:s3], $0xF7A  }
0x26: {  	[smem:$0x3F9D] =	sst s1;
	(tag) =	ssettag s2;
	_ =	strace s9  }
0x27: {  	s1 =	sld [smem:$0x3FAD]  }
0x28: {  	s2 =	sld [smem:$0x3FAE]  }
0x29: {  	s4 =	sld [smem:$0x3FB0]  }
0x2a: {  	p0 =	seq.s32 s5, $0x0;
	s5 =	sld [smem:$0x3FB1]  }
0x2b: {  	s6 =	sld [smem:$0x3FB2]  }
0x2c: {  	s7 =	sld [smem:$0x3FB3]  }
0x2d: {  	s3 =	simm.s32 $0x108;
	s8 =	sld [smem:$0x3FB4]  }
0x2e: {  	s3 =	simm.s32 @!p0 $0x1082;
	s9 =	sld [smem:$0x3FB5]  }
0x2f: {  	lr =	sadd.s32 s0, s3;
	s0 =	sld [smem:$0x3FAC]  }
0x30: {  	s3 =	sld [smem:$0x3FAF]  }
0x31: {  	[smem:$0x3FB8] =	sst s10  }
0x32: {  	s10 =	sld [smem:$0x3FB6];
	_ =	sdelay $0x3  }
0x33: {  	p0 =	seq.s32 s10, $0x1;
	s10 =	sld [smem:$0x3FB8];
	_ =	sdelay $0x3  }
0x34: {  	[smem:$0x3FB8] =	sst s10  }
0x35: {  	s10 =	sld [smem:$0x3FB7];
	_ =	sdelay $0x3  }
0x36: {  	p1 =	seq.s32 s10, $0x1;
	s10 =	sld [smem:$0x3FB8];
	_ =	sdelay $0x3  }
0x37: {  	[smem:$0x3FB8] =	sst s10  }
0x38: {  	s10 =	sld [smem:$0x3FB9]  }
0x39: {  	_ = 	snop;
	(pc) =	sbr.ind lr, $3  }
0x3a: {  	_ = 	snop  }
0x3b: {  	_ = 	snop  }
0x3c: {  	p2 =	seq.s32 s10, $0x1;
	s10 =	sld [smem:$0x3FB8]  }
0x3d: {  	_ =	shalt  }
0x3e: {  	_ =	shalt  }
0x3f: {  	_ =	shalt  }
0x40: {  	_ =	shalt  }
0x41: {  	_ =	shalt  }
0x42: {  	_ =	shalt  }
0x43: {  	_ =	shalt  }
0x44: {  	_ =	shalt  }
0x45: {  	_ =	shalt  }
0x46: {  	_ =	shalt  }
0x47: {  	_ =	shalt  }
0x48: {  	_ =	shalt  }
0x49: {  	_ =	shalt  }
0x4a: {  	_ =	shalt  }
0x4b: {  	_ =	shalt  }
0x4c: {  	_ =	shalt  }
0x4d: {  	_ =	shalt  }
0x4e: {  	_ =	shalt  }
0x4f: {  	_ =	shalt  }
0x50: {  	_ =	shalt  }
0x51: {  	_ =	shalt  }
0x52: {  	_ =	shalt  }
0x53: {  	_ =	shalt  }
0x54: {  	_ =	shalt  }
0x55: {  	_ =	shalt  }
0x56: {  	_ =	shalt  }
0x57: {  	_ =	shalt  }
0x58: {  	_ =	shalt  }
0x59: {  	_ =	shalt  }
0x5a: {  	_ =	shalt  }
0x5b: {  	_ =	shalt  }
0x5c: {  	_ =	shalt  }
0x5d: {  	_ =	shalt  }
0x5e: {  	_ =	shalt  }
0x5f: {  	_ =	shalt  }
0x60: {  	_ =	shalt  }
0x61: {  	_ =	shalt  }
0x62: {  	_ =	shalt  }
0x63: {  	_ =	shalt  }
0x64: {  	_ =	shalt  }
0x65: {  	_ =	shalt  }
0x66: {  	_ =	shalt  }
0x67: {  	_ =	shalt  }
0x68: {  	_ =	shalt  }
0x69: {  	_ =	shalt  }
0x6a: {  	_ =	shalt  }
0x6b: {  	_ =	shalt  }
0x6c: {  	_ =	shalt  }
0x6d: {  	_ =	shalt  }
0x6e: {  	_ =	shalt  }
0x6f: {  	_ =	shalt  }
0x70: {  	_ =	shalt  }
0x71: {  	_ =	shalt  }
0x72: {  	_ =	shalt  }
0x73: {  	_ =	shalt  }
0x74: {  	_ =	shalt  }
0x75: {  	_ =	shalt  }
0x76: {  	_ =	shalt  }
0x77: {  	_ =	shalt  }
0x78: {  	_ =	shalt  }
0x79: {  	_ =	shalt  }
0x7a: {  	_ =	shalt  }
0x7b: {  	_ =	shalt  }
0x7c: {  	_ =	shalt  }
0x7d: {  	_ =	shalt  }
0x7e: {  	_ =	shalt  }
0x7f: {  	_ =	shalt  }
0x80: {  	_ =	shalt  }
0x81: {  	_ =	shalt  }
0x82: {  	_ =	shalt  }
0x83: {  	_ =	shalt  }
0x84: {  	_ =	shalt  }
0x85: {  	_ =	shalt  }
0x86: {  	_ =	shalt  }
0x87: {  	_ =	shalt  }
.Lfunc_end0:
.L_simem_size_0:
called_computation_lowered:
.L_overlay_start_0:
0x88: {  	s2 =	sld [smem:$0x3FD9]  }
0x89: {  	s3 =	sld [smem:$0x3FFE];
	_ =	sdelay $0x1  }
0x8a: {  	s1 =	srdreg.scid  }
0x8b: {  	s0 =	sand.u32 $0x1, s1  }
0x8c: {  	s17 =	sshll.u32 s0, $0xA;
	s2 =	sadd.s32 s3, s2  }
0x8d: {  	s2 =	sadd.s32 s2, s17  }
0x8e: {  	[smem:$0x3FC4] =	sst s2  }
0x8f: {  	_ = 	snop  }
0x90: {  	s2 =	sld [smem:$0x3FC9]  }
0x91: {  	s18 =	sld [smem:$0x3FD0];
	(tm) =	ssettm $0x1  }
0x92: {  	s4 =	sld [smem:$0x3FFB];
	_ =	sdelay $0x3  }
0x93: {  	_ =	strace s4  }
0x94: {  	s4 =	sld [smem:$0x3FFC];
	_ =	sdelay $0x3  }
0x95: {  	_ =	strace s4  }
0x96: {  	s4 =	sld [smem:$0x3FFD];
	_ =	sdelay $0x3  }
0x97: {  	_ =	strace s4  }
0x98: {  	_ =	strace $0x8FFFFFFF  }
0x99: {  	s19 =	sld [smem:$0x3FDB];
	_ =	sdelay $0x1  }
0x9a: {  	s5 =	simm.s32 $_scs_section_size  }
0x9b: {  	s6 =	simm.s32 $_size__tile_overlayer_lowered;
	s7 =	simm.s32 $_tile_overlayer_lowered  }
0x9c: {  	s22 =	simm.s32 $0x1BFF;
	s21 =	sshll.u32 s7, $0x1;
	s4 =	sadd.s32 s5, s19  }
0x9d: {  	s8 =	simm.s32 $0x0;
	s20 =	sshll.u32 s6, $0x1;
	s6 =	sadd.s32 s21, s4  }
0x9e: {  	[timem:s8], [sflag:s22] =	dma.local [hbm:s6], s20  }
0x9f: {  	_ =	swait.ge [sflag:s22], s20  }
0xa0: {  	s5 =	ssub.s32 $0x0, s20;
	[sflag:s22] =	ssyncset.done $0x0  }
0xa1: {  	[sflag:s22] =	ssyncadd.s32 s5;
	_ =	sdelay $0x1  }
0xa2: {  	s23 =	simm.s32 $0x1B8B  }
0xa3: {  	_ =	swait.ge [sflag:s23], $0x1  }
0xa4: {  	[sflag:s23] =	ssyncset.done $0x0  }
0xa5: {  	s25 =	simm.s32 $0x1B8E;
	s24 =	sld [smem:$0x3FFE];
	[sflag:s23] =	ssyncadd.s32 $0xFFFFFFFF  }
0xa6: {  	s26 =	simm.s32 $execute0_lowered;
	[smem:$0x3FD2] =	sst s25  }
0xa7: {  	s6 =	sshll.u32 s26, $0x1;
	_ =	strace $0x80000046;
	[dreg:$0x1] =	wrdreg $0xFFFFFFFF  }
0xa8: {  	s28 =	simm.s32 $_size_execute0_lowered;
	s4 =	sadd.s32 s4, s6;
	[dreg:$0x0] =	wrdreg $0x0  }
0xa9: {  	s6 =	sshll.u32 s28, $0x1;
	[dreg:$0x2] =	wrdreg s4  }
0xaa: {  	[dreg:$0x3] =	wrdreg s6  }
0xab: {  	[dreg:$0x4] =	wrdreg $0xC0  }
0xac: {  	_ =	task [dreg:s8], $0x5FFFF  }
0xad: {  	[dreg:$0x1] =	wrdreg $0xFFFFFFFF  }
0xae: {  	[dreg:$0x0] =	wrdreg $0x60  }
0xaf: {  	[dreg:$0x2] =	wrdreg s2  }
0xb0: {  	[dreg:$0x3] =	wrdreg s18  }
0xb1: {  	[dreg:$0x4] =	wrdreg s24  }
0xb2: {  	[dreg:$0x5] =	wrdreg $0x0  }
0xb3: {  	[dreg:$0x6] =	wrdreg $0x140000  }
0xb4: {  	[dreg:$0x7] =	wrdreg $0x9  }
0xb5: {  	_ =	task.clear_ibuf [dreg:s8], $0x8FFFF;
	_ =	strace $0x90000046  }
0xb6: {  	s29 =	simm.s32 $0x9;
	_ =	strace $0x80000048  }
0xb7: {  	_ =	swait.ge [sflag:s29], $0x1  }
0xb8: {  	[sflag:s29] =	ssyncadd.s32 $0xFFFFFFFF  }
0xb9: {  	_ =	strace $0x90000048  }
0xba: {  	_ =	sfence  }
0xbb: {  	s30 =	sld [smem:$0x0];
	_ =	sdelay $0x2  }
0xbc: {  	s31 =	sshll.u32 s1, $0xD;
	s1 =	sshrl.u32 s1, $0x2  }
0xbd: {  	s3 =	sand.u32 $0x4000, s31;
	s1 =	sadd.s32 s1, s30  }
0xbe: {  	s0 =	sor.u32 s3, s0;
	s1 =	sshll.u32 s1, $0x11  }
0xbf: {  	s0 =	sor.u32 s1, s0  }
0xc0: {  	s0 =	sadd.s32 $0x8F2B, s0  }
0xc1: {  	[sflag:s0] =	ssyncadd.remote.s32 $0x1  }
0xc2: {  	_ =	sfence.sel $0xFFFF  }
0xc3: {  	[dreg:$0x0] =	wrdreg $0xFFFFFFFF;
	(pc) =	sbr.abs _section_cstart, $3  }
0xc4: {  	[dreg:$0x1] =	wrdreg $0xFFFFFFFF  }
0xc5: {  	_ =	task.clear_ibuf [dreg:s8], $0x2FFFF;
	_ =	strace $0x9FFFFFFF  }
0xc6: {  	(tm) =	ssettm $0x7FFFFFFF  }
0xc7: {  	_ =	shalt  }
tec
execute0_lowered:
.L_overlay_start_1:
0x0: {  	(tag) =	ssettag $0x1  }
0x1: {  	s0 =	rddreg [dreg:$0x0]  }
0x2: {  	s14 =	rddreg [dreg:$0x1]  }
0x3: {  	s1 =	rddreg [dreg:$0x2]  }
0x4: {  	s2 =	srdreg.scid;
	s4 =	rddreg [dreg:$0x3]  }
0x5: {  	s15 =	stileid.u32;
	s5 =	rddreg [dreg:$0x4]  }
0x6: {  	s6 =	simm.s32 $0x0;
	s29 =	simm.s32 $0x16D80;
	s7 =	smul.u32 $0x14000, s15  }
0x7: {  	s31 =	simm.s32 $0xF;
	s2 =	sand.u32 $0x1, s2;
	s11 =	smul.u32 $0x50000, s15  }
0x8: {  	[smem:$0x7FF] =	sst s6;
	s8 =	sshll.u32 s15, $0xA;
	s21 =	smul.u32 $0xA00, s15  }
0x9: {  	s12 =	sshll.u32 s15, $0x5;
	s25 =	sshll.u32 s15, $0x7;
	s3 =	smul.u32 $0x140000, s2  }
0xa: {  	p0 =	sgt.u32 s15, $0x1;
	p1 =	sgt.u32 s15, $0x9;
	s17 =	smul.u32 $0x2800, s2  }
0xb: {  	_ =	strace $0x80000047;
	s9 =	ssub.s32 $0x2, s2;
	s19 =	sshll.u32 s2, $0x4  }
0xc: {  	s2 =	sshll.u32 s2, $0xB;
	s10 =	sshrl.u32 s9, $0x1;
	s20 =	sshrl.u32 s11, $0x2  }
0xd: {  	s13 =	sor.u32 s15, s19;
	s22 =	sshrl.u32 s21, $0x2;
	s2 =	sor.u32 s25, s2  }
0xe: {  	s3 =	sadd.s32 s7, s3;
	s7 =	sadd.s32 s8, s17;
	s18 =	ssub.s32 s9, s10  }
0xf: {  	s16 =	sadd.s32 s20, s4;
	s9 =	sor.u32 s12, s19;
	s10 =	sadd.s32 s22, s5  }
0x10: {  	s23 =	sshll.u32 s13, $0x4;
	s22 =	sor.u32 $0x6000, s2;
	[dreg:$0x7] =	wrdreg s10  }
0x11: {  	s8 =	sadd.s32 s8, s5;
	s26 =	sadd.s32 $0x57200, s2;
	[dreg:$0x16] =	wrdreg s22  }
0x12: {  	s19 =	sadd.s32 $0x53200, s2;
	s3 =	sshrl.u32 s3, $0x3;
	[dreg:$0x6] =	wrdreg s16  }
0x13: {  	s7 =	sshrl.u32 s7, $0x3;
	s10 =	sadd.s32 s14, s23;
	[dreg:$0xc] =	wrdreg s8  }
0x14: {  	s9 =	sadd.s32 s9, s14;
	s22 =	sadd.s32 $0x80, s8;
	[dreg:$0x8] =	wrdreg s10  }
0x15: {  	s21 =	sshrl.u32 s19, $0x3;
	s24 =	sadd.s32 $0x13840, s9;
	[smem:$0x7F7] =	sst s22  }
0x16: {  	s3 =	sadd.s32 s3, s1;
	s9 =	sadd.s32 $0x9C00, s9;
	[dreg:$0x9] =	wrdreg s24  }
0x17: {  	s1 =	sadd.s32 s7, s1;
	s7 =	smax.u32 s18, $0x1;
	[dreg:$0xa] =	wrdreg s9  }
0x18: {  	s28 =	sor.u32 $0x9000, s2;
	s23 =	sadd.s32 s21, s14;
	[dreg:$0xe] =	wrdreg s7  }
0x19: {  	s17 =	sor.u32 $0x7000, s2;
	s15 =	sadd.s32 $0x9C40, s10;
	[dreg:$0x17] =	wrdreg s23  }
0x1a: {  	s25 =	sadd.s32 $0x52200, s2;
	s19 =	sadd.s32 $0x400, s10;
	[smem:$0x7F0] =	sst s15  }
0x1b: {  	s18 =	sadd.s32 $0x54200, s2;
	s21 =	sadd.s32 $0x600, s10;
	[smem:$0x7F4] =	sst s19  }
0x1c: {  	s3 =	sadd.s32 $0x1800, s3;
	s1 =	sadd.s32 $0xE00, s1;
	[smem:$0x7F6] =	sst s21  }
0x1d: {  	s7 =	sor.u32 $0x8000, s2;
	s9 =	sadd.s32 $0x55200, s2;
	[dreg:$0xb] =	wrdreg s3  }
0x1e: {  	s20 =	sshrl.u32 s18, $0x3;
	s18 =	sadd.s32 $0xA040, s10;
	[dreg:$0xd] =	wrdreg s1  }
0x1f: {  	s23 =	sadd.s32 $0x100, s8;
	s1 =	sshrl.u32 s26, $0x3;
	[smem:$0x7F3] =	sst s18  }
0x20: {  	s11 =	sshrl.u32 s7, $0x3;
	s7 =	sadd.s32 $0x8000, s16;
	[smem:$0x7F8] =	sst s23  }
0x21: {  	s12 =	sshrl.u32 s9, $0x3;
	s9 =	sadd.s32 $0xA000, s16;
	[dreg:$0x1e] =	wrdreg s7  }
0x22: {  	s3 =	sshrl.u32 s28, $0x3;
	s1 =	sadd.s32 s1, s14;
	[dreg:$0x1f] =	wrdreg s9  }
0x23: {  	s22 =	simm.s32 $0x6;
	s30 =	sadd.s32 s3, s14;
	[dreg:$0xf] =	wrdreg s1  }
0x24: {  	s24 =	sor.u32 $0x5000, s2;
	s13 =	sadd.s32 s12, s14;
	[dreg:$0x10] =	wrdreg s30  }
0x25: {  	s15 =	simm.s32 $0x2;
	s12 =	sadd.s32 $0xE000, s16;
	[dreg:$0x13] =	wrdreg s13  }
0x26: {  	s3 =	sadd.s32 $0x56200, s2;
	s30 =	sadd.s32 $0x2000, s16;
	[smem:$0x7ED] =	sst s12  }
0x27: {  	s1 =	sshrl.u32 s3, $0x3;
	s13 =	sadd.s32 $0x10000, s16;
	[dreg:$0x1b] =	wrdreg s30  }
0x28: {  	s3 =	sshrl.u32 s25, $0x3;
	s25 =	sadd.s32 $0x200, s8;
	[smem:$0x7EE] =	sst s13  }
0x29: {  	s2 =	sor.u32 $0x4000, s2;
	s1 =	sadd.s32 s1, s14;
	[smem:$0x7FA] =	sst s25  }
0x2a: {  	s2 =	sshrl.u32 s2, $0x3;
	s26 =	sadd.s32 s3, s14;
	[dreg:$0x11] =	wrdreg s1  }
0x2b: {  	s19 =	simm.s32 $0x16B80;
	s28 =	sadd.s32 s2, s14;
	[dreg:$0x19] =	wrdreg s26  }
0x2c: {  	s21 =	simm.s32 $0x16E80;
	s2 =	sadd.s32 $0x4000, s16;
	[dreg:$0x1a] =	wrdreg s28  }
0x2d: {  	s23 =	simm.s32 $0x14280;
	s3 =	sadd.s32 $0x6000, s16;
	[dreg:$0x1c] =	wrdreg s2  }
0x2e: {  	s18 =	simm.s32 $0x4;
	s30 =	sadd.s32 $0x380, s8;
	[dreg:$0x1d] =	wrdreg s3  }
0x2f: {  	s9 =	simm.s32 $0x1AF80;
	s1 =	sadd.s32 s11, s14;
	[smem:$0x7FD] =	sst s30  }
0x30: {  	s7 =	simm.s32 $0x7;
	s11 =	sadd.s32 $0xC000, s16;
	[dreg:$0x12] =	wrdreg s1  }
0x31: {  	s12 =	simm.s32 $0x80;
	s26 =	sadd.s32 $0x280, s8;
	[smem:$0x7EC] =	sst s11  }
0x32: {  	s13 =	simm.s32 $0x8;
	s28 =	sadd.s32 $0x300, s8;
	[smem:$0x7FB] =	sst s26  }
0x33: {  	s1 =	sshrl.u32 s17, $0x3;
	s17 =	sadd.s32 $0x200, s10;
	[smem:$0x7FC] =	sst s28  }
0x34: {  	s25 =	simm.s32 $0x16F00;
	s1 =	sadd.s32 s1, s14;
	[smem:$0x7F2] =	sst s17  }
0x35: {  	s2 =	simm.s32 $0x3;
	[dreg:$0x14] =	wrdreg s1;
	s1 =	sadd.s32 s20, s14  }
0x36: {  	s11 =	simm.s32 $0x10;
	s20 =	sadd.s32 $0xA240, s10;
	[dreg:$0x15] =	wrdreg s1  }
0x37: {  	s1 =	sshrl.u32 s24, $0x3;
	[smem:$0x7F5] =	sst s20;
	s24 =	sadd.s32 $0x180, s8  }
.Ltmp0:
0x38: {  	s1 =	sadd.s32 s1, s14;
	[smem:$0x7F9] =	sst s24;
	(pc) =	sbr.rel .LBB2_1-.Ltmp0, $4  }
0x39: {  	s17 =	simm.s32 $0x16E00;
	s14 =	sadd.s32 $0x12000, s16;
	[dreg:$0x18] =	wrdreg s1  }
0x3a: {  	s20 =	simm.s32 $0x5;
	s16 =	sadd.s32 $0x9E40, s10;
	[smem:$0x7EF] =	sst s14  }
0x3b: {  	s8 =	simm.s32 $0x0;
	s24 =	simm.s32 $0x16C00;
	[smem:$0x7F1] =	sst s16  }
0x3c: {  	v0 =	vimm.f32 $0.0e+00;
	v1 =	vimm.f32 $1.000000000e+00;
	s1 =	simm.s32 $0x16C80;
	s16 =	simm.s32 $0x16D00;
	s14 =	simm.s32 $0x16F80  }
.LBB2_6:
0x3d: {  	s3 =	simm.s32 $0xD  }
0x3e: {  	_ =	swait.ge [sflag:s3], $0x80  }
0x3f: {  	[sflag:s3] =	ssyncset.done $0x0  }
0x40: {  	s8 =	simm.s32 $0xE;
	[sflag:s3] =	ssyncadd.s32 $0xFFFFFF80  }
0x41: {  	_ =	swait.ge [sflag:s8], $0x80  }
0x42: {  	s3 =	simm.s32 @!p0 $0x0;
	[sflag:s8] =	ssyncset.done $0x0  }
0x43: {  	s10 =	rddreg [dreg:$0x9];
	[sflag:s8] =	ssyncadd.s32 $0xFFFFFF80;
	s8 =	simm.s32 @!p0 $0x16980  }
0x44: {  	[tilespmem:s8], [sflag:$0x10] =	stream.linear.gather @!p0 [hbm4b:s10+s3], $0x80, $0x38;
	[tilespmem:$0x1EF80] =	vst v63  }
0x45: {  	s10 =	simm.s32 @!p0 $0x10  }
0x46: {  	_ =	swait.ge @!p0 [sflag:s10], $0x80  }
0x47: {  	[sflag:s10] =	ssyncset.done @!p0 $0x0  }
0x48: {  	s26 =	simm.s32 @!p0 $0x16C80;
	s28 =	rddreg [dreg:$0xa];
	[sflag:s10] =	ssyncadd.s32 @!p0 $0xFFFFFF80  }
0x49: {  	[tilespmem:s26], [sflag:$0x10] =	stream.linear.gather @!p0 [hbm4b:s28+s3], $0x80, $0x38;
	[tilespmem:$0x1EF80] =	vst v63  }
0x4a: {  	_ =	swait.ge @!p0 [sflag:s10], $0x80  }
0x4b: {  	[sflag:s10] =	ssyncset.done @!p0 $0x0  }
0x4c: {  	s3 =	simm.s32 @!p0 $0x80;
	s28 =	simm.s32 @!p0 $0x16F80;
	[sflag:s10] =	ssyncadd.s32 @!p0 $0xFFFFFF80  }
0x4d: {  	[tilespmem:s28], [sflag:$0x7] =	stream.indirect.gather @!p0 [hbm4b:s0+s3], $0x80, s8, s3, $0xb8;
	[tilespmem:$0x1EF80] =	vst v63  }
0x4e: {  	s8 =	simm.s32 @!p0 $0x7  }
0x4f: {  	_ =	swait.ge @!p0 [sflag:s8], $0x4000  }
0x50: {  	[sflag:s8] =	ssyncset.done @!p0 $0x0  }
0x51: {  	[sflag:s8] =	ssyncadd.s32 @!p0 $0xFFFFC000  }
0x52: {  	[spmem:s4] =	stream.indirect.scatter.add.f32 @!p0 [tilespmem:s28], [sflag:$0x10], $0x80, s26, s3, $0xb8;
	[tilespmem:$0x1EF80] =	vst v63  }
0x53: {  	_ =	swait.ge @!p0 [sflag:s10], $0x4000  }
0x54: {  	[sflag:s10] =	ssyncset.done @!p0 $0x0  }
0x55: {  	s8 =	simm.s32 @!p0 $0x14280;
	[sflag:s10] =	ssyncadd.s32 @!p0 $0xFFFFC000  }
0x56: {  	[spmem:s5] =	stream.indirect.scatter.add.f32 @!p0 [tilespmem:s8], [sflag:$0x10], $0x1, s26, s3, $0xb8;
	[tilespmem:$0x1EF80] =	vst v63  }
0x57: {  	_ =	swait.ge @!p0 [sflag:s10], $0x80  }
0x58: {  	[sflag:s10] =	ssyncset.done @!p0 $0x0  }
0x59: {  	[sflag:s10] =	ssyncadd.s32 @!p0 $0xFFFFFF80  }
0x5a: {  	s10 =	stileid.u32;
	[bflag:$0x0] =	sbarrier.arrive $0xFFFF  }
0x5b: {  	s3 =	sshll.u32 s10, $0x6;
	s17 =	rddreg [dreg:$0x6]  }
0x5c: {  	s3 =	sor.u32 $0x1C0F, s3;
	s26 =	rddreg [dreg:$0xb];
	s8 =	sshrl.u32 s17, $0x3  }
0x5d: {  	[hbm:s26], [sflag:s3] =	dma.local [spmem:s8], $0x2800  }
0x5e: {  	s8 =	rddreg [dreg:$0xc]  }
0x5f: {  	s3 =	simm.s32 @!p1 $0x16580;
	s10 =	sld [smem:$0x7F7]  }
0x60: {  	[tilespmem:s3], [sflag:$0xF] =	stream.linear.gather @!p1 [spmem:s8], $0x80, $0x38;
	[tilespmem:$0x1EF80] =	vst v63  }
0x61: {  	s8 =	simm.s32 @!p1 $0x16600  }
0x62: {  	[tilespmem:s8], [sflag:$0xF] =	stream.linear.gather @!p1 [spmem:s10], $0x80, $0x38;
	[tilespmem:$0x1EF80] =	vst v63  }
0x63: {  	s10 =	sld [smem:$0x7F8];
	_ =	sdelay $0x1  }
0x64: {  	s8 =	simm.s32 @!p1 $0x16680  }
0x65: {  	[tilespmem:s8], [sflag:$0xF] =	stream.linear.gather @!p1 [spmem:s10], $0x80, $0x38;
	[tilespmem:$0x1EF80] =	vst v63  }
0x66: {  	s10 =	sld [smem:$0x7F9];
	_ =	sdelay $0x1  }
0x67: {  	s8 =	simm.s32 @!p1 $0x16700  }
0x68: {  	[tilespmem:s8], [sflag:$0xF] =	stream.linear.gather @!p1 [spmem:s10], $0x80, $0x38;
	[tilespmem:$0x1EF80] =	vst v63  }
0x69: {  	s10 =	sld [smem:$0x7FA];
	_ =	sdelay $0x1  }
0x6a: {  	s8 =	simm.s32 @!p1 $0x16780  }
0x6b: {  	[tilespmem:s8], [sflag:$0xF] =	stream.linear.gather @!p1 [spmem:s10], $0x80, $0x38;
	[tilespmem:$0x1EF80] =	vst v63  }
0x6c: {  	s10 =	sld [smem:$0x7FB];
	_ =	sdelay $0x1  }
0x6d: {  	s8 =	simm.s32 @!p1 $0x16800  }
0x6e: {  	[tilespmem:s8], [sflag:$0xF] =	stream.linear.gather @!p1 [spmem:s10], $0x80, $0x38;
	[tilespmem:$0x1EF80] =	vst v63  }
0x6f: {  	s10 =	sld [smem:$0x7FC];
	_ =	sdelay $0x1  }
0x70: {  	s8 =	simm.s32 @!p1 $0x16880  }
0x71: {  	[tilespmem:s8], [sflag:$0xF] =	stream.linear.gather @!p1 [spmem:s10], $0x80, $0x38;
	[tilespmem:$0x1EF80] =	vst v63  }
0x72: {  	s10 =	sld [smem:$0x7FD];
	_ =	sdelay $0x1  }
0x73: {  	s8 =	simm.s32 @!p1 $0x16900  }
0x74: {  	[tilespmem:s8], [sflag:$0xF] =	stream.linear.gather @!p1 [spmem:s10], $0x80, $0x38;
	[tilespmem:$0x1EF80] =	vst v63  }
0x75: {  	s8 =	simm.s32 @!p1 $0xF  }
0x76: {  	_ =	swait.ge @!p1 [sflag:s8], $0x80  }
0x77: {  	[sflag:s8] =	ssyncset.done @!p1 $0x0  }
0x78: {  	[sflag:s8] =	ssyncadd.s32 @!p1 $0xFFFFFF80  }
0x79: {  	_ =	swait.ge @!p1 [sflag:s8], $0x80  }
0x7a: {  	[sflag:s8] =	ssyncset.done @!p1 $0x0  }
0x7b: {  	[sflag:s8] =	ssyncadd.s32 @!p1 $0xFFFFFF80  }
0x7c: {  	_ =	swait.ge @!p1 [sflag:s8], $0x80  }
0x7d: {  	[sflag:s8] =	ssyncset.done @!p1 $0x0  }
0x7e: {  	[sflag:s8] =	ssyncadd.s32 @!p1 $0xFFFFFF80  }
0x7f: {  	_ =	swait.ge @!p1 [sflag:s8], $0x80  }
0x80: {  	[sflag:s8] =	ssyncset.done @!p1 $0x0  }
0x81: {  	[sflag:s8] =	ssyncadd.s32 @!p1 $0xFFFFFF80  }
0x82: {  	_ =	swait.ge @!p1 [sflag:s8], $0x80  }
0x83: {  	[sflag:s8] =	ssyncset.done @!p1 $0x0  }
0x84: {  	[sflag:s8] =	ssyncadd.s32 @!p1 $0xFFFFFF80  }
0x85: {  	_ =	swait.ge @!p1 [sflag:s8], $0x80  }
0x86: {  	[sflag:s8] =	ssyncset.done @!p1 $0x0  }
0x87: {  	[sflag:s8] =	ssyncadd.s32 @!p1 $0xFFFFFF80  }
0x88: {  	_ =	swait.ge @!p1 [sflag:s8], $0x80  }
0x89: {  	[sflag:s8] =	ssyncset.done @!p1 $0x0  }
0x8a: {  	[sflag:s8] =	ssyncadd.s32 @!p1 $0xFFFFFF80  }
0x8b: {  	_ =	swait.ge @!p1 [sflag:s8], $0x80  }
0x8c: {  	[sflag:s8] =	ssyncset.done @!p1 $0x0  }
0x8d: {  	s10 =	rddreg [dreg:$0xd];
	[sflag:s8] =	ssyncadd.s32 @!p1 $0xFFFFFF80;
	s8 =	simm.s32 @!p1 $0x0  }
0x8e: {  	[hbm4b:s10+s8] =	stream.linear.scatter @!p1 [tilespmem:s3], [sflag:$0x10], $0x400, $0x38;
	[tilespmem:$0x1EF80] =	vst v63  }
0x8f: {  	s3 =	simm.s32 @!p1 $0x10  }
0x90: {  	_ =	swait.ge @!p1 [sflag:s3], $0x400  }
0x91: {  	[sflag:s3] =	ssyncset.done @!p1 $0x0  }
0x92: {  	s31 =	simm.s32 $0xF;
	[sflag:s3] =	ssyncadd.s32 @!p1 $0xFFFFFC00  }
0x93: {  	_ =	swait.ge [sflag:s31], $0x2800  }
0x94: {  	s28 =	sld [smem:$0x7EB];
	_ =	sdelay $0x2  }
0x95: {  	s30 =	rddreg [dreg:$0xe];
	s8 =	sadd.s32 $0x1, s28  }
0x96: {  	p2 =	sne.s32 s8, s30  }
.Ltmp1:
0x97: {  	_ = 	snop;
	(pc) =	sbr.rel @!p2 .LBB2_7-.Ltmp1, $3  }
0x98: {  	_ =	sdelay $0x1  }
0x99: {  	[sflag:s31] =	ssyncset.done $0x0  }
0x9a: {  	s17 =	simm.s32 $0x16E00;
	[sflag:s31] =	ssyncadd.s32 $0xFFFFD800  }
.LBB2_1:
0x9b: {  	s10 =	sand.u32 $0x7E00, s6  }
0x9c: {  	[smem:$0x7EB] =	sst s8;
	s26 =	sand.u32 $0x70, s6;
	s28 =	sshrl.u32 s10, $0x2  }
0x9d: {  	s10 =	simm.s32 $0x40;
	s28 =	sor.u32 s26, s28;
	s26 =	simm.s32 $0x0  }
.LBB2_2:
0x9e: {  	p2 =	sne.s32 s10, $0x7FC0  }
0x9f: {  	[tilespmem:s28+$0x14580] =	vst v0;
	s26 =	sadd.s32 $0x10, s26;
	s28 =	smov.u32 s10;
	s10 =	sadd.s32 $0x40, s10  }
.Ltmp2:
0xa0: {  	(pc) =	sbr.rel @p2 .LBB2_2-.Ltmp2, $4  }
0xa1: {  	_ = 	snop  }
0xa2: {  	s28 =	sand.u32 $0x7E00, s28  }
0xa3: {  	s30 =	sand.u32 $0x70, s26;
	s28 =	sshrl.u32 s28, $0x2  }
0xa4: {  	s28 =	sor.u32 s30, s28  }
0xa5: {  	[tilespmem:s28+$0x14580] =	vst v0  }
0xa6: {  	[tilespmem:$0x14300] =	vst v0  }
0xa7: {  	[tilespmem:$0x14310] =	vst v0  }
0xa8: {  	[tilespmem:$0x14320] =	vst v0  }
0xa9: {  	[tilespmem:$0x14330] =	vst v0  }
0xaa: {  	[tilespmem:$0x14340] =	vst v0  }
0xab: {  	[tilespmem:$0x14350] =	vst v0  }
0xac: {  	[tilespmem:$0x14360] =	vst v0  }
0xad: {  	[tilespmem:$0x14370] =	vst v0  }
0xae: {  	[tilespmem:$0x14380] =	vst v0  }
0xaf: {  	[tilespmem:$0x14390] =	vst v0  }
0xb0: {  	[tilespmem:$0x143A0] =	vst v0  }
0xb1: {  	[tilespmem:$0x143B0] =	vst v0  }
0xb2: {  	[tilespmem:$0x143C0] =	vst v0  }
0xb3: {  	[tilespmem:$0x143D0] =	vst v0  }
0xb4: {  	[tilespmem:$0x143E0] =	vst v0  }
0xb5: {  	[tilespmem:$0x143F0] =	vst v0  }
0xb6: {  	[tilespmem:$0x14400] =	vst v0  }
0xb7: {  	[tilespmem:$0x14410] =	vst v0  }
0xb8: {  	[tilespmem:$0x14420] =	vst v0  }
0xb9: {  	[tilespmem:$0x14430] =	vst v0  }
0xba: {  	[tilespmem:$0x14440] =	vst v0  }
0xbb: {  	[tilespmem:$0x14450] =	vst v0  }
0xbc: {  	[tilespmem:$0x14460] =	vst v0  }
0xbd: {  	[tilespmem:$0x14470] =	vst v0  }
0xbe: {  	[tilespmem:$0x14480] =	vst v0  }
0xbf: {  	[tilespmem:$0x14490] =	vst v0  }
0xc0: {  	[tilespmem:$0x144A0] =	vst v0  }
0xc1: {  	[tilespmem:$0x144B0] =	vst v0  }
0xc2: {  	[tilespmem:$0x144C0] =	vst v0  }
0xc3: {  	[tilespmem:$0x144D0] =	vst v0  }
0xc4: {  	[tilespmem:$0x144E0] =	vst v0  }
0xc5: {  	[tilespmem:$0x144F0] =	vst v0  }
0xc6: {  	[tilespmem:$0x14500] =	vst v0  }
0xc7: {  	[tilespmem:$0x14510] =	vst v0  }
0xc8: {  	[tilespmem:$0x14520] =	vst v0  }
0xc9: {  	[tilespmem:$0x14530] =	vst v0  }
0xca: {  	[tilespmem:$0x14540] =	vst v0  }
0xcb: {  	[tilespmem:$0x14550] =	vst v0  }
0xcc: {  	[tilespmem:$0x14560] =	vst v0  }
0xcd: {  	[tilespmem:$0x14570] =	vst v0  }
0xce: {  	[tilespmem:$0x14280] =	vst v1  }
0xcf: {  	[tilespmem:$0x14290] =	vst v1  }
0xd0: {  	[tilespmem:$0x142A0] =	vst v1  }
0xd1: {  	[tilespmem:$0x142B0] =	vst v1  }
0xd2: {  	[tilespmem:$0x142C0] =	vst v1  }
0xd3: {  	[tilespmem:$0x142D0] =	vst v1  }
0xd4: {  	s3 =	rddreg [dreg:$0x6];
	[tilespmem:$0x142E0] =	vst v1  }
0xd5: {  	s8 =	simm.s32 $0x14580;
	s10 =	rddreg [dreg:$0x1b];
	[tilespmem:$0x142F0] =	vst v1  }
0xd6: {  	[spmem:s3] =	stream.linear.scatter [tilespmem:s8], [sflag:$0xF], $0x2000, $0x38;
	[tilespmem:$0x1EF80] =	vst v63  }
0xd7: {  	s26 =	rddreg [dreg:$0x1c]  }
0xd8: {  	[spmem:s10] =	stream.linear.scatter [tilespmem:s8], [sflag:$0xF], $0x2000, $0x38;
	[tilespmem:$0x1EF80] =	vst v63  }
0xd9: {  	s30 =	rddreg [dreg:$0x1d]  }
0xda: {  	[spmem:s26] =	stream.linear.scatter [tilespmem:s8], [sflag:$0xF], $0x2000, $0x38;
	[tilespmem:$0x1EF80] =	vst v63  }
0xdb: {  	s10 =	rddreg [dreg:$0x1e]  }
0xdc: {  	[spmem:s30] =	stream.linear.scatter [tilespmem:s8], [sflag:$0xF], $0x2000, $0x38;
	[tilespmem:$0x1EF80] =	vst v63  }
0xdd: {  	s26 =	rddreg [dreg:$0x1f]  }
0xde: {  	[spmem:s10] =	stream.linear.scatter [tilespmem:s8], [sflag:$0xF], $0x2000, $0x38;
	[tilespmem:$0x1EF80] =	vst v63  }
0xdf: {  	s30 =	sld [smem:$0x7EC]  }
0xe0: {  	[spmem:s26] =	stream.linear.scatter [tilespmem:s8], [sflag:$0xF], $0x2000, $0x38;
	[tilespmem:$0x1EF80] =	vst v63  }
0xe1: {  	s10 =	sld [smem:$0x7ED]  }
0xe2: {  	[spmem:s30] =	stream.linear.scatter [tilespmem:s8], [sflag:$0xF], $0x2000, $0x38;
	[tilespmem:$0x1EF80] =	vst v63  }
0xe3: {  	s26 =	sld [smem:$0x7EE]  }
0xe4: {  	[spmem:s10] =	stream.linear.scatter [tilespmem:s8], [sflag:$0xF], $0x2000, $0x38;
	[tilespmem:$0x1EF80] =	vst v63  }
0xe5: {  	s30 =	sld [smem:$0x7EF]  }
0xe6: {  	[spmem:s26] =	stream.linear.scatter [tilespmem:s8], [sflag:$0xF], $0x2000, $0x38;
	[tilespmem:$0x1EF80] =	vst v63  }
0xe7: {  	s10 =	rddreg [dreg:$0x7]  }
0xe8: {  	[spmem:s30] =	stream.linear.scatter [tilespmem:s8], [sflag:$0xF], $0x2000, $0x38;
	[tilespmem:$0x1EF80] =	vst v63  }
0xe9: {  	s26 =	simm.s32 $0x14300;
	s30 =	sld [smem:$0x7F0]  }
0xea: {  	[spmem:s10] =	stream.linear.scatter [tilespmem:s26], [sflag:$0xF], $0x280, $0x38;
	[tilespmem:$0x1EF80] =	vst v63  }
0xeb: {  	s8 =	simm.s32 $0x16980;
	s26 =	simm.s32 $0x0;
	s10 =	rddreg [dreg:$0x8]  }
0xec: {  	[tilespmem:s8], [sflag:$0x1] =	stream.linear.gather [hbm4b:s30+s26], $0x80, $0x38;
	[tilespmem:$0x1EF80] =	vst v63  }
0xed: {  	s30 =	sld [smem:$0x7F1]  }
0xee: {  	[tilespmem:s1], [sflag:$0x1] =	stream.linear.gather [hbm4b:s10+s26], $0x80, $0x38;
	[tilespmem:$0x1EF80] =	vst v63  }
0xef: {  	s1 =	simm.s32 $0x16A00;
	s10 =	sld [smem:$0x7F2]  }
0xf0: {  	[tilespmem:s1], [sflag:$0x2] =	stream.linear.gather [hbm4b:s30+s26], $0x80, $0x38;
	[tilespmem:$0x1EF80] =	vst v63  }
0xf1: {  	_ = 	snop  }
0xf2: {  	[tilespmem:s16], [sflag:$0x2] =	stream.linear.gather [hbm4b:s10+s26], $0x80, $0x38;
	[tilespmem:$0x1EF80] =	vst v63  }
0xf3: {  	s16 =	sld [smem:$0x7F3];
	_ =	sdelay $0x1  }
0xf4: {  	s30 =	sld [smem:$0x7F4];
	s10 =	simm.s32 $0x16A80  }
0xf5: {  	[tilespmem:s10], [sflag:$0x3] =	stream.linear.gather [hbm4b:s16+s26], $0x80, $0x38;
	[tilespmem:$0x1EF80] =	vst v63  }
0xf6: {  	s10 =	sld [smem:$0x7F5]  }
0xf7: {  	[tilespmem:s29], [sflag:$0x3] =	stream.linear.gather [hbm4b:s30+s26], $0x80, $0x38;
	[tilespmem:$0x1EF80] =	vst v63  }
0xf8: {  	s16 =	sld [smem:$0x7F6];
	s29 =	simm.s32 $0x16B00  }
0xf9: {  	[tilespmem:s29], [sflag:$0x4] =	stream.linear.gather [hbm4b:s10+s26], $0x80, $0x38;
	[tilespmem:$0x1EF80] =	vst v63  }
0xfa: {  	s30 =	simm.s32 $0x1  }
0xfb: {  	[tilespmem:s17], [sflag:$0x4] =	stream.linear.gather [hbm4b:s16+s26], $0x80, $0x38;
	[tilespmem:$0x1EF80] =	vst v63  }
0xfc: {  	_ =	swait.ge [sflag:s30], $0x80  }
0xfd: {  	[sflag:s30] =	ssyncset.done $0x0  }
0xfe: {  	[sflag:s30] =	ssyncadd.s32 $0xFFFFFF80  }
0xff: {  	_ =	swait.ge [sflag:s30], $0x80  }
0x100: {  	[sflag:s30] =	ssyncset.done $0x0  }
0x101: {  	[sflag:s30] =	ssyncadd.s32 $0xFFFFFF80  }
0x102: {  	[tilespmem:s14], [sflag:$0x7] =	stream.indirect.gather [hbm4b:s0+s12], $0x80, s8, s12, $0xb8;
	[tilespmem:$0x1EF80] =	vst v63  }
0x103: {  	_ =	swait.ge [sflag:s15], $0x80  }
0x104: {  	[sflag:s15] =	ssyncset.done $0x0  }
0x105: {  	[sflag:s15] =	ssyncadd.s32 $0xFFFFFF80  }
0x106: {  	_ =	swait.ge [sflag:s15], $0x80  }
0x107: {  	[sflag:s15] =	ssyncset.done $0x0  }
0x108: {  	[sflag:s15] =	ssyncadd.s32 $0xFFFFFF80  }
0x109: {  	[tilespmem:s9], [sflag:$0x8] =	stream.indirect.gather [hbm4b:s0+s12], $0x80, s1, s12, $0xb8;
	[tilespmem:$0x1EF80] =	vst v63  }
0x10a: {  	_ =	swait.ge [sflag:s31], $0x2000  }
0x10b: {  	[sflag:s31] =	ssyncset.done $0x0  }
0x10c: {  	[sflag:s31] =	ssyncadd.s32 $0xFFFFE000  }
0x10d: {  	_ =	swait.ge [sflag:s31], $0x2000  }
0x10e: {  	[sflag:s31] =	ssyncset.done $0x0  }
0x10f: {  	[sflag:s31] =	ssyncadd.s32 $0xFFFFE000  }
0x110: {  	_ =	swait.ge [sflag:s31], $0x2000  }
0x111: {  	[sflag:s31] =	ssyncset.done $0x0  }
0x112: {  	[sflag:s31] =	ssyncadd.s32 $0xFFFFE000  }
0x113: {  	_ =	swait.ge [sflag:s31], $0x2000  }
0x114: {  	[sflag:s31] =	ssyncset.done $0x0  }
0x115: {  	[sflag:s31] =	ssyncadd.s32 $0xFFFFE000  }
0x116: {  	_ =	swait.ge [sflag:s31], $0x2000  }
0x117: {  	[sflag:s31] =	ssyncset.done $0x0  }
0x118: {  	[sflag:s31] =	ssyncadd.s32 $0xFFFFE000  }
0x119: {  	_ =	swait.ge [sflag:s31], $0x2000  }
0x11a: {  	[sflag:s31] =	ssyncset.done $0x0  }
0x11b: {  	[sflag:s31] =	ssyncadd.s32 $0xFFFFE000  }
0x11c: {  	_ =	swait.ge [sflag:s31], $0x2000  }
0x11d: {  	[sflag:s31] =	ssyncset.done $0x0  }
0x11e: {  	[sflag:s31] =	ssyncadd.s32 $0xFFFFE000  }
0x11f: {  	_ =	swait.ge [sflag:s31], $0x2000  }
0x120: {  	[sflag:s31] =	ssyncset.done $0x0  }
0x121: {  	[sflag:s31] =	ssyncadd.s32 $0xFFFFE000  }
0x122: {  	_ =	swait.ge [sflag:s31], $0x2000  }
0x123: {  	[sflag:s31] =	ssyncset.done $0x0  }
0x124: {  	[sflag:s31] =	ssyncadd.s32 $0xFFFFE000  }
0x125: {  	_ =	swait.ge [sflag:s31], $0x2000  }
0x126: {  	[sflag:s31] =	ssyncset.done $0x0  }
0x127: {  	[sflag:s31] =	ssyncadd.s32 $0xFFFFE000  }
0x128: {  	_ =	swait.ge [sflag:s31], $0x280  }
0x129: {  	[sflag:s31] =	ssyncset.done $0x0  }
0x12a: {  	[sflag:s31] =	ssyncadd.s32 $0xFFFFFD80  }
0x12b: {  	[bflag:$0x0] =	sbarrier.arrive $0xFFFF  }
0x12c: {  	s17 =	simm.s32 $0x16E00;
	s28 =	rddreg [dreg:$0x16]  }
.LBB2_4:
0x12d: {  	_ =	swait.ge [sflag:s7], $0x4000  }
0x12e: {  	[sflag:s7] =	ssyncset.done $0x0  }
0x12f: {  	s3 =	simm.s32 $0x16C80;
	[sflag:s7] =	ssyncadd.s32 $0xFFFFC000  }
0x130: {  	[spmem:s4] =	stream.indirect.scatter.add.f32 [tilespmem:s14], [sflag:$0x10], $0x80, s3, s12, $0xb8;
	[tilespmem:$0x1EF80] =	vst v63  }
0x131: {  	_ =	swait.ge [sflag:s11], $0x4000  }
0x132: {  	p2 =	seq.s32 s26, $0x0;
	[sflag:s11] =	ssyncset.done $0x0  }
0x133: {  	s10 =	simm.s32 @!p2 $0xD;
	[sflag:s11] =	ssyncadd.s32 $0xFFFFC000  }
0x134: {  	[spmem:s5] =	stream.indirect.scatter.add.f32 [tilespmem:s23], [sflag:$0x9], $0x1, s3, s12, $0xb8;
	[tilespmem:$0x1EF80] =	vst v63  }
0x135: {  	_ =	swait.ge @!p2 [sflag:s10], $0x80  }
0x136: {  	[sflag:s10] =	ssyncset.done @!p2 $0x0  }
0x137: {  	[sflag:s10] =	ssyncadd.s32 @!p2 $0xFFFFFF80;
	s10 =	rddreg [dreg:$0x19]  }
0x138: {  	s30 =	rddreg [dreg:$0x1a];
	s16 =	sadd.s32 s26, s10  }
0x139: {  	[tilespmem:s19], [sflag:$0x5] =	stream.linear.gather [hbm4b:s16+s6], $0x80, $0x38;
	[tilespmem:$0x1EF80] =	vst v63  }
0x13a: {  	s3 =	sadd.s32 s26, s30  }
0x13b: {  	[tilespmem:s21], [sflag:$0x5] =	stream.linear.gather [hbm4b:s3+s6], $0x80, $0x38;
	[tilespmem:$0x1EF80] =	vst v63  }
0x13c: {  	_ =	swait.ge [sflag:s2], $0x80  }
0x13d: {  	[sflag:s2] =	ssyncset.done $0x0  }
0x13e: {  	[sflag:s2] =	ssyncadd.s32 $0xFFFFFF80  }
0x13f: {  	_ =	swait.ge [sflag:s2], $0x80  }
0x140: {  	[sflag:s2] =	ssyncset.done $0x0  }
0x141: {  	s8 =	simm.s32 $0x16A80;
	[sflag:s2] =	ssyncadd.s32 $0xFFFFFF80  }
0x142: {  	[tilespmem:s14], [sflag:$0x7] =	stream.indirect.gather [hbm4b:s0+s12], $0x80, s8, s12, $0xb8;
	[tilespmem:$0x1EF80] =	vst v63  }
0x143: {  	_ =	swait.ge [sflag:s13], $0x4000  }
0x144: {  	[sflag:s13] =	ssyncset.done $0x0  }
0x145: {  	s10 =	simm.s32 $0x16D00;
	[sflag:s13] =	ssyncadd.s32 $0xFFFFC000  }
0x146: {  	[spmem:s4] =	stream.indirect.scatter.add.f32 [tilespmem:s9], [sflag:$0x10], $0x80, s10, s12, $0xb8;
	[tilespmem:$0x1EF80] =	vst v63  }
0x147: {  	_ =	swait.ge [sflag:s11], $0x4000  }
0x148: {  	[sflag:s11] =	ssyncset.done $0x0  }
0x149: {  	[sflag:s11] =	ssyncadd.s32 $0xFFFFC000  }
0x14a: {  	[spmem:s5] =	stream.indirect.scatter.add.f32 [tilespmem:s23], [sflag:$0xA], $0x1, s10, s12, $0xb8;
	[tilespmem:$0x1EF80] =	vst v63  }
0x14b: {  	s10 =	simm.s32 @!p2 $0xE  }
0x14c: {  	_ =	swait.ge @!p2 [sflag:s10], $0x80  }
0x14d: {  	[sflag:s10] =	ssyncset.done @!p2 $0x0;
	s30 =	rddreg [dreg:$0x17]  }
0x14e: {  	[sflag:s10] =	ssyncadd.s32 @!p2 $0xFFFFFF80;
	s8 =	sadd.s32 s26, s30;
	s30 =	rddreg [dreg:$0x18]  }
0x14f: {  	[tilespmem:s24], [sflag:$0x6] =	stream.linear.gather [hbm4b:s8+s6], $0x80, $0x38;
	[tilespmem:$0x1EF80] =	vst v63  }
0x150: {  	s3 =	sadd.s32 s26, s30  }
0x151: {  	[tilespmem:s25], [sflag:$0x6] =	stream.linear.gather [hbm4b:s3+s6], $0x80, $0x38;
	[tilespmem:$0x1EF80] =	vst v63  }
0x152: {  	_ =	swait.ge [sflag:s18], $0x80  }
0x153: {  	[sflag:s18] =	ssyncset.done $0x0  }
0x154: {  	[sflag:s18] =	ssyncadd.s32 $0xFFFFFF80  }
0x155: {  	_ =	swait.ge [sflag:s18], $0x80  }
0x156: {  	[sflag:s18] =	ssyncset.done $0x0  }
0x157: {  	[sflag:s18] =	ssyncadd.s32 $0xFFFFFF80  }
0x158: {  	[tilespmem:s9], [sflag:$0x8] =	stream.indirect.gather [hbm4b:s0+s12], $0x80, s29, s12, $0xb8;
	[tilespmem:$0x1EF80] =	vst v63  }
0x159: {  	_ =	swait.ge [sflag:s7], $0x4000  }
0x15a: {  	[sflag:s7] =	ssyncset.done $0x0  }
0x15b: {  	s8 =	simm.s32 $0x16D80;
	[sflag:s7] =	ssyncadd.s32 $0xFFFFC000  }
0x15c: {  	[spmem:s4] =	stream.indirect.scatter.add.f32 [tilespmem:s14], [sflag:$0x10], $0x80, s8, s12, $0xb8;
	[tilespmem:$0x1EF80] =	vst v63  }
0x15d: {  	_ =	swait.ge [sflag:s11], $0x4000  }
0x15e: {  	[sflag:s11] =	ssyncset.done $0x0  }
0x15f: {  	s10 =	simm.s32 $0x9;
	[sflag:s11] =	ssyncadd.s32 $0xFFFFC000  }
0x160: {  	[spmem:s5] =	stream.indirect.scatter.add.f32 [tilespmem:s23], [sflag:$0xB], $0x1, s8, s12, $0xb8;
	[tilespmem:$0x1EF80] =	vst v63  }
0x161: {  	_ =	swait.ge [sflag:s10], $0x80  }
0x162: {  	[sflag:s10] =	ssyncset.done $0x0  }
0x163: {  	p2 =	seq.s32 s26, $0x9000;
	s3 =	rddreg [dreg:$0x15];
	[sflag:s10] =	ssyncadd.s32 $0xFFFFFF80  }
0x164: {  	s30 =	sadd.s32 @!p2 s26, s3;
	s3 =	simm.s32 @!p2 $0x0;
	s10 =	simm.s32 @!p2 $0x16980  }
0x165: {  	[tilespmem:s10], [sflag:$0x1] =	stream.linear.gather @!p2 [hbm4b:s30+s3], $0x80, $0x38;
	[tilespmem:$0x1EF80] =	vst v63  }
0x166: {  	s30 =	sshrl.u32 @!p2 s28, $0x3;
	s8 =	rddreg [dreg:$0x1]  }
0x167: {  	s30 =	sadd.s32 @!p2 s8, s30;
	s8 =	simm.s32 @!p2 $0x16C80  }
0x168: {  	[tilespmem:s8], [sflag:$0x1] =	stream.linear.gather @!p2 [hbm4b:s30+s3], $0x80, $0x38;
	[tilespmem:$0x1EF80] =	vst v63  }
0x169: {  	_ =	swait.ge [sflag:s20], $0x80  }
0x16a: {  	[sflag:s20] =	ssyncset.done $0x0  }
0x16b: {  	[sflag:s20] =	ssyncadd.s32 $0xFFFFFF80  }
0x16c: {  	_ =	swait.ge [sflag:s20], $0x80  }
0x16d: {  	[sflag:s20] =	ssyncset.done $0x0  }
0x16e: {  	[sflag:s20] =	ssyncadd.s32 $0xFFFFFF80  }
0x16f: {  	[tilespmem:s14], [sflag:$0x7] =	stream.indirect.gather [hbm4b:s0+s12], $0x80, s19, s12, $0xb8;
	[tilespmem:$0x1EF80] =	vst v63  }
0x170: {  	_ =	swait.ge [sflag:s13], $0x4000  }
0x171: {  	[sflag:s13] =	ssyncset.done $0x0  }
0x172: {  	[sflag:s13] =	ssyncadd.s32 $0xFFFFC000  }
0x173: {  	[spmem:s4] =	stream.indirect.scatter.add.f32 [tilespmem:s9], [sflag:$0x10], $0x80, s17, s12, $0xb8;
	[tilespmem:$0x1EF80] =	vst v63  }
0x174: {  	_ =	swait.ge [sflag:s11], $0x4000  }
0x175: {  	[sflag:s11] =	ssyncset.done $0x0  }
0x176: {  	s30 =	simm.s32 $0xA;
	[sflag:s11] =	ssyncadd.s32 $0xFFFFC000  }
0x177: {  	[spmem:s5] =	stream.indirect.scatter.add.f32 [tilespmem:s23], [sflag:$0xC], $0x1, s17, s12, $0xb8;
	[tilespmem:$0x1EF80] =	vst v63  }
0x178: {  	_ =	swait.ge [sflag:s30], $0x80  }
0x179: {  	[sflag:s30] =	ssyncset.done $0x0;
	s8 =	rddreg [dreg:$0x13]  }
0x17a: {  	[sflag:s30] =	ssyncadd.s32 $0xFFFFFF80;
	s8 =	sadd.s32 @!p2 s26, s8;
	s30 =	simm.s32 @!p2 $0x16A00  }
0x17b: {  	[tilespmem:s30], [sflag:$0x2] =	stream.linear.gather @!p2 [hbm4b:s8+s3], $0x80, $0x38;
	[tilespmem:$0x1EF80] =	vst v63  }
0x17c: {  	s8 =	rddreg [dreg:$0x14]  }
0x17d: {  	s30 =	simm.s32 @!p2 $0x16D00;
	s8 =	sadd.s32 @!p2 s26, s8  }
0x17e: {  	[tilespmem:s30], [sflag:$0x2] =	stream.linear.gather @!p2 [hbm4b:s8+s3], $0x80, $0x38;
	[tilespmem:$0x1EF80] =	vst v63  }
0x17f: {  	_ =	swait.ge [sflag:s22], $0x80  }
0x180: {  	[sflag:s22] =	ssyncset.done $0x0  }
0x181: {  	[sflag:s22] =	ssyncadd.s32 $0xFFFFFF80  }
0x182: {  	_ =	swait.ge [sflag:s22], $0x80  }
0x183: {  	[sflag:s22] =	ssyncset.done $0x0  }
0x184: {  	[sflag:s22] =	ssyncadd.s32 $0xFFFFFF80  }
0x185: {  	[tilespmem:s9], [sflag:$0x8] =	stream.indirect.gather [hbm4b:s0+s12], $0x80, s24, s12, $0xb8;
	[tilespmem:$0x1EF80] =	vst v63  }
0x186: {  	_ =	swait.ge [sflag:s7], $0x4000  }
0x187: {  	[sflag:s7] =	ssyncset.done $0x0  }
0x188: {  	[sflag:s7] =	ssyncadd.s32 $0xFFFFC000  }
0x189: {  	[spmem:s4] =	stream.indirect.scatter.add.f32 [tilespmem:s14], [sflag:$0x10], $0x80, s21, s12, $0xb8;
	[tilespmem:$0x1EF80] =	vst v63  }
0x18a: {  	_ =	swait.ge [sflag:s11], $0x4000  }
0x18b: {  	[sflag:s11] =	ssyncset.done $0x0  }
0x18c: {  	s30 =	simm.s32 $0xB;
	[sflag:s11] =	ssyncadd.s32 $0xFFFFC000  }
0x18d: {  	[spmem:s5] =	stream.indirect.scatter.add.f32 [tilespmem:s23], [sflag:$0xD], $0x1, s21, s12, $0xb8;
	[tilespmem:$0x1EF80] =	vst v63  }
0x18e: {  	_ =	swait.ge [sflag:s30], $0x80  }
0x18f: {  	[sflag:s30] =	ssyncset.done $0x0;
	s8 =	rddreg [dreg:$0x11]  }
0x190: {  	[sflag:s30] =	ssyncadd.s32 $0xFFFFFF80;
	s8 =	sadd.s32 @!p2 s26, s8;
	s30 =	simm.s32 @!p2 $0x16A80  }
0x191: {  	[tilespmem:s30], [sflag:$0x3] =	stream.linear.gather @!p2 [hbm4b:s8+s3], $0x80, $0x38;
	[tilespmem:$0x1EF80] =	vst v63  }
0x192: {  	s8 =	rddreg [dreg:$0x12]  }
0x193: {  	s30 =	simm.s32 @!p2 $0x16D80;
	s8 =	sadd.s32 @!p2 s26, s8  }
0x194: {  	[tilespmem:s30], [sflag:$0x3] =	stream.linear.gather @!p2 [hbm4b:s8+s3], $0x80, $0x38;
	[tilespmem:$0x1EF80] =	vst v63  }
0x195: {  	s3 =	simm.s32 @!p2 $0x1  }
0x196: {  	_ =	swait.ge @!p2 [sflag:s3], $0x80  }
0x197: {  	[sflag:s3] =	ssyncset.done @!p2 $0x0  }
0x198: {  	[sflag:s3] =	ssyncadd.s32 @!p2 $0xFFFFFF80  }
0x199: {  	_ =	swait.ge @!p2 [sflag:s3], $0x80  }
0x19a: {  	[sflag:s3] =	ssyncset.done @!p2 $0x0  }
0x19b: {  	s8 =	simm.s32 @!p2 $0x16F80;
	[sflag:s3] =	ssyncadd.s32 @!p2 $0xFFFFFF80;
	s3 =	simm.s32 @!p2 $0x80  }
0x19c: {  	[tilespmem:s8], [sflag:$0x7] =	stream.indirect.gather @!p2 [hbm4b:s0+s3], $0x80, s10, s3, $0xb8;
	[tilespmem:$0x1EF80] =	vst v63  }
0x19d: {  	_ =	swait.ge [sflag:s13], $0x4000  }
0x19e: {  	[sflag:s13] =	ssyncset.done $0x0  }
0x19f: {  	[sflag:s13] =	ssyncadd.s32 $0xFFFFC000  }
0x1a0: {  	[spmem:s4] =	stream.indirect.scatter.add.f32 [tilespmem:s9], [sflag:$0x10], $0x80, s25, s12, $0xb8;
	[tilespmem:$0x1EF80] =	vst v63  }
0x1a1: {  	_ =	swait.ge [sflag:s11], $0x4000  }
0x1a2: {  	[sflag:s11] =	ssyncset.done $0x0  }
.Ltmp3:
0x1a3: {  	s30 =	simm.s32 $0xC;
	[sflag:s11] =	ssyncadd.s32 $0xFFFFC000;
	(pc) =	sbr.rel @p2 .LBB2_6-.Ltmp3, $4  }
0x1a4: {  	[spmem:s5] =	stream.indirect.scatter.add.f32 [tilespmem:s23], [sflag:$0xE], $0x1, s25, s12, $0xb8;
	[tilespmem:$0x1EF80] =	vst v63  }
0x1a5: {  	_ =	swait.ge [sflag:s30], $0x80  }
0x1a6: {  	s1 =	simm.s32 $0x16C80;
	s31 =	simm.s32 $0x16B00;
	[sflag:s30] =	ssyncset.done $0x0  }
0x1a7: {  	s16 =	simm.s32 $0x16D00;
	s29 =	simm.s32 $0x16D80;
	[sflag:s30] =	ssyncadd.s32 $0xFFFFFF80  }
0x1a8: {  	s3 =	rddreg [dreg:$0xf]  }
0x1a9: {  	s3 =	sadd.s32 s26, s3  }
0x1aa: {  	[tilespmem:s31], [sflag:$0x4] =	stream.linear.gather [hbm4b:s3+s6], $0x80, $0x38;
	[tilespmem:$0x1EF80] =	vst v63  }
0x1ab: {  	s31 =	rddreg [dreg:$0x10]  }
0x1ac: {  	s3 =	sadd.s32 s26, s31  }
0x1ad: {  	[tilespmem:s17], [sflag:$0x4] =	stream.linear.gather [hbm4b:s3+s6], $0x80, $0x38;
	[tilespmem:$0x1EF80] =	vst v63  }
0x1ae: {  	_ =	swait.ge [sflag:s15], $0x80  }
0x1af: {  	[sflag:s15] =	ssyncset.done $0x0  }
.Ltmp4:
0x1b0: {  	[sflag:s15] =	ssyncadd.s32 $0xFFFFFF80;
	(pc) =	sbr.rel .LBB2_4-.Ltmp4, $4  }
0x1b1: {  	_ =	swait.ge [sflag:s15], $0x80  }
0x1b2: {  	s1 =	simm.s32 $0x16A00;
	s28 =	sadd.s32 $0x6000, s28;
	[sflag:s15] =	ssyncset.done $0x0  }
0x1b3: {  	s29 =	simm.s32 $0x16B00;
	s26 =	sadd.s32 $0xC00, s26;
	[sflag:s15] =	ssyncadd.s32 $0xFFFFFF80  }
0x1b4: {  	[tilespmem:s9], [sflag:$0x8] =	stream.indirect.gather [hbm4b:s0+s12], $0x80, s1, s12, $0xb8;
	[tilespmem:$0x1EF80] =	vst v63  }
.LBB2_7:
0x1b5: {  	_ =	sfence.sel $0x180000  }
0x1b6: {  	[bflag:$0x0] =	sbarrier.arrive $0xFFFF  }
0x1b7: {  	_ =	strace $0x90000047  }
0x1b8: {  	s0 =	stileid.u32;
	[bflag:$0x2] =	sbarrier.arrive $0xFFFF  }
0x1b9: {  	p0 =	sne.s32 s0, $0x0;
	s0 =	rddreg [dreg:$0x5]  }
0x1ba: {  	s0 =	sadd.s32 @!p0 $0x100000, s0  }
0x1bb: {  	[sflag:s0] =	ssyncadd.tile.s32 @!p0 $0x1;
	_ =	shalt  }
.Lfunc_end2:
_tile_overlayer_lowered:
.L_overlay_start_2:
0x1bc: {  	(tag) =	ssettag $0x2  }
0x1bd: {  	s0 =	rddreg [dreg:$0x0];
	s2 =	stileid.u32  }
0x1be: {  	s1 =	rddreg [dreg:$0x1];
	p0 =	sne.s32 s2, $0x0  }
0x1bf: {  	s3 =	rddreg [dreg:$0x2];
	[bflag:$0x3] =	sbarrier.arrive $0xFFFF;
	s2 =	simm.s32 @!p0 $0x1C10  }
0x1c0: {  	[timem:s3], [sflag:s2] =	dma.local @!p0 [hbm:s0], s1  }
0x1c1: {  	s0 =	simm.s32 @!p0 $0x10  }
0x1c2: {  	_ =	swait.ge @!p0 [sflag:s0], s1  }
0x1c3: {  	s1 =	ssub.s32 @!p0 $0x0, s1;
	[sflag:s0] =	ssyncset.done @!p0 $0x0  }
0x1c4: {  	[sflag:s0] =	ssyncadd.s32 @!p0 s1  }
0x1c5: {  	[bflag:$0x3] =	sbarrier.arrive $0xFFFF  }
0x1c6: {  	_ =	shalt  }

</sc_bundles>
